<compile_context>
chip_gen: v7x
topology: tpu7x:2x2x1
jax: 0.10.2.dev20260603
libtpu: 0.0.44.dev20260713+nightly
codegen_flags: <defaults>
</compile_context>

<pallas_src>
import functools

import jax
import jax.numpy as jnp
from jax import lax
from jax.experimental import pallas as pl
from jax.experimental.pallas import tpu as pltpu
from jax.experimental.pallas import tpu_sc as plsc

_MIN_VAR = 0.02
_MAX_VAR = 3.0

_NC = 2
_NS = 16

_CHUNK = 128
_SLOTS = 4


def _var_table_body(lv_ref, out_ref):
    lv = lv_ref[...]
    out_ref[...] = jnp.minimum(jax.nn.softplus(lv) + _MIN_VAR, _MAX_VAR)


def _var_table(log_var):
    return pl.pallas_call(
        _var_table_body,
        out_shape=jax.ShapeDtypeStruct(log_var.shape, log_var.dtype),
    )(log_var)


@functools.partial(jax.jit, static_argnums=(3,))
def _gather_sc(table, vtable, idx2d, d):
    n_rows, chunk = idx2d.shape
    b = n_rows * chunk
    v = table.shape[0]
    rows_per_t = n_rows // _NS
    n_groups = rows_per_t // _SLOTS
    mesh = plsc.VectorSubcoreMesh(
        core_axis_name="c", subcore_axis_name="s",
        num_cores=_NC, num_subcores=_NS)

    @functools.partial(
        pl.kernel,
        out_type=(
            jax.ShapeDtypeStruct((b, d), jnp.float32),
            jax.ShapeDtypeStruct((b, d), jnp.float32),
        ),
        mesh=mesh,
        scratch_types=[
            pltpu.VMEM((rows_per_t, chunk), jnp.int32),
            pltpu.VMEM((_SLOTS, chunk, d), jnp.float32),
            pltpu.VMEM_SHARED((v, d), jnp.float32),
            [pltpu.SemaphoreType.DMA] * _SLOTS,
            [pltpu.SemaphoreType.DMA] * _SLOTS,
        ],
    )
    def k(tab_hbm, vtab_hbm, idx_hbm, mu_hbm, var_hbm,
          idx_v, rows_v, tab_sh, gsems, wsems):
        cid = lax.axis_index("c")
        sid = lax.axis_index("s")
        base_row = sid * rows_per_t

        @pl.when(jnp.logical_and(sid == 0, cid == 0))
        def _():
            pltpu.sync_copy(tab_hbm, tab_sh)

        @pl.when(jnp.logical_and(sid == 0, cid == 1))
        def _():
            pltpu.sync_copy(vtab_hbm, tab_sh)

        pltpu.sync_copy(idx_hbm.at[pl.ds(base_row, rows_per_t)], idx_v)
        plsc.subcore_barrier()

        def fire_gather(g, t):
            pltpu.make_async_copy(
                tab_sh.at[pl.ds(0, 8)], rows_v.at[t, pl.ds(0, 8)],
                gsems[t]).start()

        def wait_gather(t):
            pltpu.make_async_copy(
                tab_sh.at[pl.ds(0, 8)], rows_v.at[t, pl.ds(0, 8)],
                gsems[t]).wait()

        def fire_wb(g, t):
            off = (base_row + g) * chunk

            @pl.when(cid == 0)
            def _():
                pltpu.make_async_copy(
                    rows_v.at[t], mu_hbm.at[pl.ds(off, chunk)],
                    wsems[t]).start()

            @pl.when(cid == 1)
            def _():
                pltpu.make_async_copy(
                    rows_v.at[t], var_hbm.at[pl.ds(off, chunk)],
                    wsems[t]).start()

        def wait_wb(t):
            pltpu.make_async_copy(
                rows_v.at[t], mu_hbm.at[pl.ds(0, chunk)], wsems[t]).wait()

        for t in range(_SLOTS):
            fire_gather(t, t)

        def body(p, carry):
            g0 = p * _SLOTS
            for t in range(_SLOTS):
                wait_gather(t)
                fire_wb(g0 + t, t)
            for t in range(_SLOTS):
                g_next = g0 + t + _SLOTS

                @pl.when(g_next < rows_per_t)
                def _():
                    wait_wb(t)
                    fire_gather(g_next, t)

            return carry

        lax.fori_loop(0, n_groups, body, 0)
        for t in range(_SLOTS):
            wait_wb(t)

    return k(table, vtable, idx2d)


def kernel(ids, translation, log_var):
    vtab = _var_table(log_var)
    n, s = ids.shape
    d = translation.shape[1]
    idx2d = ids.T.reshape(-1, _CHUNK)
    mu2, var2 = _gather_sc(translation, vtab, idx2d, d)
    mu = mu2.reshape(s, n, d).transpose(1, 0, 2)
    var = var2.reshape(s, n, d).transpose(1, 0, 2)
    return mu, var

# --- scband reference (transcript-rebuilt; emitter-appended) ---
"""Pipeline reference for scband-relation-transform-32555852103871 (READ-ONLY COPY).

The authoritative reference and input builder live on the scoring server;
editing this copy changes nothing except your own understanding.
"""

import jax, jax.numpy as jnp
import numpy as np
import math

NUM_RELATIONS = 1000
DIM = 128
INIT_VAR = 0.3
MIN_VAR = 0.02
MAX_VAR = 3.0


def setup_inputs(seed: int = 0) -> dict:
    key = jax.random.key(seed)
    k1, k2 = jax.random.split(key, 2)
    ids = jax.random.randint(k1, (16384, 50), 0, NUM_RELATIONS, dtype=jnp.int32)
    translation = jax.random.uniform(k2, (NUM_RELATIONS, DIM), minval=-0.1, maxval=0.1, dtype=jnp.float32)
    log_var = jnp.full((NUM_RELATIONS, DIM), math.log(INIT_VAR), dtype=jnp.float32)
    return {"ids": ids, "translation": translation, "log_var": log_var}


def reference(ids, translation, log_var):
    # forward(ids) -> (translation(ids), get_var(ids))
    mu = jnp.take(translation, ids, axis=0)
    lv = jnp.take(log_var, ids, axis=0)
    var = jnp.minimum(jax.nn.softplus(lv) + MIN_VAR, MAX_VAR)
    return (mu, var)

if __name__ == "__main__":
    import jax
    _d = setup_inputs()
    print(jax.jit(kernel)(*tuple(_d.values())))

</pallas_src>

<mosaic_0001>
#map = affine_map<(d0, d1) -> (0, 0)>
module attributes {stable_mosaic.version = 14 : i64} {
  func.func @k(%arg0: i32, %arg1: i32, %arg2: memref<1000x128xf32, #tpu.memory_space<hbm>>, %arg3: memref<1000x128xf32, #tpu.memory_space<hbm>>, %arg4: memref<6400x128xi32, #tpu.memory_space<hbm>>, %arg5: memref<819200x128xf32, #tpu.memory_space<hbm>>, %arg6: memref<819200x128xf32, #tpu.memory_space<hbm>>, %arg7: memref<400x128xi32, #tpu.memory_space<vmem>>, %arg8: memref<4x128x128xf32, #tpu.memory_space<vmem>>, %arg9: memref<1000x128xf32, #tpu.memory_space<vmem_shared>>, %arg10: memref<!tpu.dma_semaphore, #tpu.memory_space<semaphore_mem>>, %arg11: memref<!tpu.dma_semaphore, #tpu.memory_space<semaphore_mem>>, %arg12: memref<!tpu.dma_semaphore, #tpu.memory_space<semaphore_mem>>, %arg13: memref<!tpu.dma_semaphore, #tpu.memory_space<semaphore_mem>>, %arg14: memref<!tpu.dma_semaphore, #tpu.memory_space<semaphore_mem>>, %arg15: memref<!tpu.dma_semaphore, #tpu.memory_space<semaphore_mem>>, %arg16: memref<!tpu.dma_semaphore, #tpu.memory_space<semaphore_mem>>, %arg17: memref<!tpu.dma_semaphore, #tpu.memory_space<semaphore_mem>>) attributes {dimension_semantics = [#tpu.dimension_semantics<core_parallel>, #tpu.dimension_semantics<subcore_parallel>], iteration_bounds = array<i64: 2, 16>, scalar_prefetch = 0 : i64, scratch_operands = 11 : i64, tpu.core_type = #tpu.core_type<sc_vector_subcore>, window_params = [{transform_indices = #map}, {transform_indices = #map}, {transform_indices = #map}, {transform_indices = #map}, {transform_indices = #map}]} {
    %mul3A = arith.constant 400 : i32
    %mul3A_0 = arith.muli %arg1, %mul3A : i32
    %eq3A = arith.constant 0 : i32
    %eq3A_1 = arith.cmpi eq, %arg1, %eq3A : i32
    %eq3A_2 = arith.constant 0 : i32
    %eq3A_3 = arith.cmpi eq, %arg0, %eq3A_2 : i32
    %and3A = arith.andi %eq3A_1, %eq3A_3 : i1
    %convert_element_type3A = arith.extui %and3A : i1 to i32
    %cond3A = arith.constant 0 : i32
    %cond3A_4 = arith.cmpi ne, %convert_element_type3A, %cond3A : i32
    scf.if %cond3A_4 {
      "tpu.region"() ({
        %run_scoped3A = tpu.sem_alloc : memref<!tpu.dma_semaphore, #tpu.memory_space<semaphore_mem>>
        tpu.enqueue_dma source(%arg2 : memref<1000x128xf32, #tpu.memory_space<hbm>>) target(%arg9 : memref<1000x128xf32, #tpu.memory_space<vmem_shared>>) target_semaphore(%run_scoped3A : memref<!tpu.dma_semaphore, #tpu.memory_space<semaphore_mem>>)
        tpu.wait_dma2 semaphore(%run_scoped3A : memref<!tpu.dma_semaphore, #tpu.memory_space<semaphore_mem>>) src(%arg2 : memref<1000x128xf32, #tpu.memory_space<hbm>>) dst(%arg9 : memref<1000x128xf32, #tpu.memory_space<vmem_shared>>)
        tpu.yield
      }) : () -> ()
    } else {
    }
    %eq3A_5 = arith.constant 0 : i32
    %eq3A_6 = arith.cmpi eq, %arg1, %eq3A_5 : i32
    %eq3A_7 = arith.constant 1 : i32
    %eq3A_8 = arith.cmpi eq, %arg0, %eq3A_7 : i32
    %and3A_9 = arith.andi %eq3A_6, %eq3A_8 : i1
    %convert_element_type3A_10 = arith.extui %and3A_9 : i1 to i32
    %cond3A_11 = arith.constant 0 : i32
    %cond3A_12 = arith.cmpi ne, %convert_element_type3A_10, %cond3A_11 : i32
    scf.if %cond3A_12 {
      "tpu.region"() ({
        %run_scoped3A = tpu.sem_alloc : memref<!tpu.dma_semaphore, #tpu.memory_space<semaphore_mem>>
        tpu.enqueue_dma source(%arg3 : memref<1000x128xf32, #tpu.memory_space<hbm>>) target(%arg9 : memref<1000x128xf32, #tpu.memory_space<vmem_shared>>) target_semaphore(%run_scoped3A : memref<!tpu.dma_semaphore, #tpu.memory_space<semaphore_mem>>)
        tpu.wait_dma2 semaphore(%run_scoped3A : memref<!tpu.dma_semaphore, #tpu.memory_space<semaphore_mem>>) src(%arg3 : memref<1000x128xf32, #tpu.memory_space<hbm>>) dst(%arg9 : memref<1000x128xf32, #tpu.memory_space<vmem_shared>>)
        tpu.yield
      }) : () -> ()
    } else {
    }
    "tpu.region"() ({
      %run_scoped3A = tpu.sem_alloc : memref<!tpu.dma_semaphore, #tpu.memory_space<semaphore_mem>>
      %dma_start3A_136 = arith.constant 0 : i32
      %dma_start3A_137 = tpu.memref_slice %arg4[%mul3A_0, %dma_start3A_136] : memref<6400x128xi32, #tpu.memory_space<hbm>> -> memref<400x128xi32, #tpu.memory_space<hbm>>
      %dma_start3A_138 = arith.constant 0 : i32
      %dma_start3A_139 = tpu.memref_slice %arg4[%mul3A_0, %dma_start3A_138] : memref<6400x128xi32, #tpu.memory_space<hbm>> -> memref<400x128xi32, #tpu.memory_space<hbm>>
      tpu.enqueue_dma source(%dma_start3A_139 : memref<400x128xi32, #tpu.memory_space<hbm>>) target(%arg7 : memref<400x128xi32, #tpu.memory_space<vmem>>) target_semaphore(%run_scoped3A : memref<!tpu.dma_semaphore, #tpu.memory_space<semaphore_mem>>)
      %dma_wait3A_140 = arith.constant 0 : i32
      %dma_wait3A_141 = tpu.memref_slice %arg4[%mul3A_0, %dma_wait3A_140] : memref<6400x128xi32, #tpu.memory_space<hbm>> -> memref<400x128xi32, #tpu.memory_space<hbm>>
      %dma_wait3A_142 = arith.constant 0 : i32
      %dma_wait3A_143 = tpu.memref_slice %arg4[%mul3A_0, %dma_wait3A_142] : memref<6400x128xi32, #tpu.memory_space<hbm>> -> memref<400x128xi32, #tpu.memory_space<hbm>>
      tpu.wait_dma2 semaphore(%run_scoped3A : memref<!tpu.dma_semaphore, #tpu.memory_space<semaphore_mem>>) src(%dma_wait3A_143 : memref<400x128xi32, #tpu.memory_space<hbm>>) dst(%arg7 : memref<400x128xi32, #tpu.memory_space<vmem>>)
      tpu.yield
    }) : () -> ()
    %barrier3A = arith.constant 0 : index
    tpu.barrier barrier_id(%barrier3A)
    %dma_start3A = arith.constant 0 : i32
    %dma_start3A_13 = arith.constant 0 : i32
    %dma_start3A_14 = arith.constant 0 : i32
    %dma_start3A_15 = tpu.memref_slice %arg8[%dma_start3A, %dma_start3A_13, %dma_start3A_14] : memref<4x128x128xf32, #tpu.memory_space<vmem>> -> memref<1x8x128xf32, #tpu.memory_space<vmem>>
    %dma_start3A_16 = tpu.memref_squeeze %dma_start3A_15 : memref<1x8x128xf32, #tpu.memory_space<vmem>> -> memref<8x128xf32, #tpu.memory_space<vmem>>
    %dma_start3A_17 = arith.constant 0 : i32
    %dma_start3A_18 = arith.constant 0 : i32
    %dma_start3A_19 = tpu.memref_slice %arg9[%dma_start3A_17, %dma_start3A_18] : memref<1000x128xf32, #tpu.memory_space<vmem_shared>> -> memref<8x128xf32, #tpu.memory_space<vmem_shared>>
    %dma_start3A_20 = arith.constant 0 : i32
    %dma_start3A_21 = arith.constant 0 : i32
    %dma_start3A_22 = tpu.memref_slice %arg8[%dma_start3A, %dma_start3A_20, %dma_start3A_21] : memref<4x128x128xf32, #tpu.memory_space<vmem>> -> memref<1x8x128xf32, #tpu.memory_space<vmem>>
    %dma_start3A_23 = tpu.memref_squeeze %dma_start3A_22 : memref<1x8x128xf32, #tpu.memory_space<vmem>> -> memref<8x128xf32, #tpu.memory_space<vmem>>
    %dma_start3A_24 = arith.constant 0 : i32
    %dma_start3A_25 = arith.constant 0 : i32
    %dma_start3A_26 = tpu.memref_slice %arg9[%dma_start3A_24, %dma_start3A_25] : memref<1000x128xf32, #tpu.memory_space<vmem_shared>> -> memref<8x128xf32, #tpu.memory_space<vmem_shared>>
    tpu.enqueue_dma source(%dma_start3A_26 : memref<8x128xf32, #tpu.memory_space<vmem_shared>>) target(%dma_start3A_23 : memref<8x128xf32, #tpu.memory_space<vmem>>) target_semaphore(%arg10 : memref<!tpu.dma_semaphore, #tpu.memory_space<semaphore_mem>>)
    %dma_start3A_27 = arith.constant 1 : i32
    %dma_start3A_28 = arith.constant 0 : i32
    %dma_start3A_29 = arith.constant 0 : i32
    %dma_start3A_30 = tpu.memref_slice %arg8[%dma_start3A_27, %dma_start3A_28, %dma_start3A_29] : memref<4x128x128xf32, #tpu.memory_space<vmem>> -> memref<1x8x128xf32, #tpu.memory_space<vmem>>
    %dma_start3A_31 = tpu.memref_squeeze %dma_start3A_30 : memref<1x8x128xf32, #tpu.memory_space<vmem>> -> memref<8x128xf32, #tpu.memory_space<vmem>>
    %dma_start3A_32 = arith.constant 0 : i32
    %dma_start3A_33 = arith.constant 0 : i32
    %dma_start3A_34 = tpu.memref_slice %arg9[%dma_start3A_32, %dma_start3A_33] : memref<1000x128xf32, #tpu.memory_space<vmem_shared>> -> memref<8x128xf32, #tpu.memory_space<vmem_shared>>
    %dma_start3A_35 = arith.constant 0 : i32
    %dma_start3A_36 = arith.constant 0 : i32
    %dma_start3A_37 = tpu.memref_slice %arg8[%dma_start3A_27, %dma_start3A_35, %dma_start3A_36] : memref<4x128x128xf32, #tpu.memory_space<vmem>> -> memref<1x8x128xf32, #tpu.memory_space<vmem>>
    %dma_start3A_38 = tpu.memref_squeeze %dma_start3A_37 : memref<1x8x128xf32, #tpu.memory_space<vmem>> -> memref<8x128xf32, #tpu.memory_space<vmem>>
    %dma_start3A_39 = arith.constant 0 : i32
    %dma_start3A_40 = arith.constant 0 : i32
    %dma_start3A_41 = tpu.memref_slice %arg9[%dma_start3A_39, %dma_start3A_40] : memref<1000x128xf32, #tpu.memory_space<vmem_shared>> -> memref<8x128xf32, #tpu.memory_space<vmem_shared>>
    tpu.enqueue_dma source(%dma_start3A_41 : memref<8x128xf32, #tpu.memory_space<vmem_shared>>) target(%dma_start3A_38 : memref<8x128xf32, #tpu.memory_space<vmem>>) target_semaphore(%arg11 : memref<!tpu.dma_semaphore, #tpu.memory_space<semaphore_mem>>)
    %dma_start3A_42 = arith.constant 2 : i32
    %dma_start3A_43 = arith.constant 0 : i32
    %dma_start3A_44 = arith.constant 0 : i32
    %dma_start3A_45 = tpu.memref_slice %arg8[%dma_start3A_42, %dma_start3A_43, %dma_start3A_44] : memref<4x128x128xf32, #tpu.memory_space<vmem>> -> memref<1x8x128xf32, #tpu.memory_space<vmem>>
    %dma_start3A_46 = tpu.memref_squeeze %dma_start3A_45 : memref<1x8x128xf32, #tpu.memory_space<vmem>> -> memref<8x128xf32, #tpu.memory_space<vmem>>
    %dma_start3A_47 = arith.constant 0 : i32
    %dma_start3A_48 = arith.constant 0 : i32
    %dma_start3A_49 = tpu.memref_slice %arg9[%dma_start3A_47, %dma_start3A_48] : memref<1000x128xf32, #tpu.memory_space<vmem_shared>> -> memref<8x128xf32, #tpu.memory_space<vmem_shared>>
    %dma_start3A_50 = arith.constant 0 : i32
    %dma_start3A_51 = arith.constant 0 : i32
    %dma_start3A_52 = tpu.memref_slice %arg8[%dma_start3A_42, %dma_start3A_50, %dma_start3A_51] : memref<4x128x128xf32, #tpu.memory_space<vmem>> -> memref<1x8x128xf32, #tpu.memory_space<vmem>>
    %dma_start3A_53 = tpu.memref_squeeze %dma_start3A_52 : memref<1x8x128xf32, #tpu.memory_space<vmem>> -> memref<8x128xf32, #tpu.memory_space<vmem>>
    %dma_start3A_54 = arith.constant 0 : i32
    %dma_start3A_55 = arith.constant 0 : i32
    %dma_start3A_56 = tpu.memref_slice %arg9[%dma_start3A_54, %dma_start3A_55] : memref<1000x128xf32, #tpu.memory_space<vmem_shared>> -> memref<8x128xf32, #tpu.memory_space<vmem_shared>>
    tpu.enqueue_dma source(%dma_start3A_56 : memref<8x128xf32, #tpu.memory_space<vmem_shared>>) target(%dma_start3A_53 : memref<8x128xf32, #tpu.memory_space<vmem>>) target_semaphore(%arg12 : memref<!tpu.dma_semaphore, #tpu.memory_space<semaphore_mem>>)
    %dma_start3A_57 = arith.constant 3 : i32
    %dma_start3A_58 = arith.constant 0 : i32
    %dma_start3A_59 = arith.constant 0 : i32
    %dma_start3A_60 = tpu.memref_slice %arg8[%dma_start3A_57, %dma_start3A_58, %dma_start3A_59] : memref<4x128x128xf32, #tpu.memory_space<vmem>> -> memref<1x8x128xf32, #tpu.memory_space<vmem>>
    %dma_start3A_61 = tpu.memref_squeeze %dma_start3A_60 : memref<1x8x128xf32, #tpu.memory_space<vmem>> -> memref<8x128xf32, #tpu.memory_space<vmem>>
    %dma_start3A_62 = arith.constant 0 : i32
    %dma_start3A_63 = arith.constant 0 : i32
    %dma_start3A_64 = tpu.memref_slice %arg9[%dma_start3A_62, %dma_start3A_63] : memref<1000x128xf32, #tpu.memory_space<vmem_shared>> -> memref<8x128xf32, #tpu.memory_space<vmem_shared>>
    %dma_start3A_65 = arith.constant 0 : i32
    %dma_start3A_66 = arith.constant 0 : i32
    %dma_start3A_67 = tpu.memref_slice %arg8[%dma_start3A_57, %dma_start3A_65, %dma_start3A_66] : memref<4x128x128xf32, #tpu.memory_space<vmem>> -> memref<1x8x128xf32, #tpu.memory_space<vmem>>
    %dma_start3A_68 = tpu.memref_squeeze %dma_start3A_67 : memref<1x8x128xf32, #tpu.memory_space<vmem>> -> memref<8x128xf32, #tpu.memory_space<vmem>>
    %dma_start3A_69 = arith.constant 0 : i32
    %dma_start3A_70 = arith.constant 0 : i32
    %dma_start3A_71 = tpu.memref_slice %arg9[%dma_start3A_69, %dma_start3A_70] : memref<1000x128xf32, #tpu.memory_space<vmem_shared>> -> memref<8x128xf32, #tpu.memory_space<vmem_shared>>
    tpu.enqueue_dma source(%dma_start3A_71 : memref<8x128xf32, #tpu.memory_space<vmem_shared>>) target(%dma_start3A_68 : memref<8x128xf32, #tpu.memory_space<vmem>>) target_semaphore(%arg13 : memref<!tpu.dma_semaphore, #tpu.memory_space<semaphore_mem>>)
    %scan3A = arith.constant 0 : i32
    %scan3A_72 = arith.constant 0 : i32
    %scan3A_73 = arith.constant 100 : i32
    %scan3A_74 = arith.addi %scan3A_72, %scan3A_73 : i32
    %scan3A_75 = arith.constant 1 : i32
    scf.for %scan3A_136 = %scan3A_72 to %scan3A_74 step %scan3A_75  : i32 {
      %mul3A_137 = arith.constant 4 : i32
      %mul3A_138 = arith.muli %scan3A_136, %mul3A_137 : i32
      %dma_wait3A_139 = arith.constant 0 : i32
      %dma_wait3A_140 = arith.constant 0 : i32
      %dma_wait3A_141 = arith.constant 0 : i32
      %dma_wait3A_142 = tpu.memref_slice %arg8[%dma_wait3A_139, %dma_wait3A_140, %dma_wait3A_141] : memref<4x128x128xf32, #tpu.memory_space<vmem>> -> memref<1x8x128xf32, #tpu.memory_space<vmem>>
      %dma_wait3A_143 = tpu.memref_squeeze %dma_wait3A_142 : memref<1x8x128xf32, #tpu.memory_space<vmem>> -> memref<8x128xf32, #tpu.memory_space<vmem>>
      %dma_wait3A_144 = arith.constant 0 : i32
      %dma_wait3A_145 = arith.constant 0 : i32
      %dma_wait3A_146 = tpu.memref_slice %arg9[%dma_wait3A_144, %dma_wait3A_145] : memref<1000x128xf32, #tpu.memory_space<vmem_shared>> -> memref<8x128xf32, #tpu.memory_space<vmem_shared>>
      %dma_wait3A_147 = arith.constant 0 : i32
      %dma_wait3A_148 = arith.constant 0 : i32
      %dma_wait3A_149 = tpu.memref_slice %arg8[%dma_wait3A_139, %dma_wait3A_147, %dma_wait3A_148] : memref<4x128x128xf32, #tpu.memory_space<vmem>> -> memref<1x8x128xf32, #tpu.memory_space<vmem>>
      %dma_wait3A_150 = tpu.memref_squeeze %dma_wait3A_149 : memref<1x8x128xf32, #tpu.memory_space<vmem>> -> memref<8x128xf32, #tpu.memory_space<vmem>>
      %dma_wait3A_151 = arith.constant 0 : i32
      %dma_wait3A_152 = arith.constant 0 : i32
      %dma_wait3A_153 = tpu.memref_slice %arg9[%dma_wait3A_151, %dma_wait3A_152] : memref<1000x128xf32, #tpu.memory_space<vmem_shared>> -> memref<8x128xf32, #tpu.memory_space<vmem_shared>>
      tpu.wait_dma2 semaphore(%arg10 : memref<!tpu.dma_semaphore, #tpu.memory_space<semaphore_mem>>) src(%dma_wait3A_153 : memref<8x128xf32, #tpu.memory_space<vmem_shared>>) dst(%dma_wait3A_150 : memref<8x128xf32, #tpu.memory_space<vmem>>)
      %add3A = arith.constant 0 : i32
      %add3A_154 = arith.addi %mul3A_138, %add3A : i32
      %add3A_155 = arith.addi %mul3A_0, %add3A_154 : i32
      %mul3A_156 = arith.constant 128 : i32
      %mul3A_157 = arith.muli %add3A_155, %mul3A_156 : i32
      %eq3A_158 = arith.constant 0 : i32
      %eq3A_159 = arith.cmpi eq, %arg0, %eq3A_158 : i32
      %convert_element_type3A_160 = arith.extui %eq3A_159 : i1 to i32
      %cond3A_161 = arith.constant 0 : i32
      %cond3A_162 = arith.cmpi ne, %convert_element_type3A_160, %cond3A_161 : i32
      scf.if %cond3A_162 {
        %dma_start3A_293 = arith.constant 0 : i32
        %dma_start3A_294 = arith.constant 0 : i32
        %dma_start3A_295 = arith.constant 0 : i32
        %dma_start3A_296 = tpu.memref_slice %arg8[%dma_start3A_293, %dma_start3A_294, %dma_start3A_295] : memref<4x128x128xf32, #tpu.memory_space<vmem>> -> memref<1x128x128xf32, #tpu.memory_space<vmem>>
        %dma_start3A_297 = tpu.memref_squeeze %dma_start3A_296 : memref<1x128x128xf32, #tpu.memory_space<vmem>> -> memref<128x128xf32, #tpu.memory_space<vmem>>
        %dma_start3A_298 = arith.constant 0 : i32
        %dma_start3A_299 = tpu.memref_slice %arg5[%mul3A_157, %dma_start3A_298] : memref<819200x128xf32, #tpu.memory_space<hbm>> -> memref<128x128xf32, #tpu.memory_space<hbm>>
        %dma_start3A_300 = arith.constant 0 : i32
        %dma_start3A_301 = tpu.memref_slice %arg5[%mul3A_157, %dma_start3A_300] : memref<819200x128xf32, #tpu.memory_space<hbm>> -> memref<128x128xf32, #tpu.memory_space<hbm>>
        %dma_start3A_302 = arith.constant 0 : i32
        %dma_start3A_303 = arith.constant 0 : i32
        %dma_start3A_304 = tpu.memref_slice %arg8[%dma_start3A_293, %dma_start3A_302, %dma_start3A_303] : memref<4x128x128xf32, #tpu.memory_space<vmem>> -> memref<1x128x128xf32, #tpu.memory_space<vmem>>
        %dma_start3A_305 = tpu.memref_squeeze %dma_start3A_304 : memref<1x128x128xf32, #tpu.memory_space<vmem>> -> memref<128x128xf32, #tpu.memory_space<vmem>>
        tpu.enqueue_dma source(%dma_start3A_305 : memref<128x128xf32, #tpu.memory_space<vmem>>) target(%dma_start3A_301 : memref<128x128xf32, #tpu.memory_space<hbm>>) target_semaphore(%arg14 : memref<!tpu.dma_semaphore, #tpu.memory_space<semaphore_mem>>)
      } else {
      }
      %eq3A_163 = arith.constant 1 : i32
      %eq3A_164 = arith.cmpi eq, %arg0, %eq3A_163 : i32
      %convert_element_type3A_165 = arith.extui %eq3A_164 : i1 to i32
      %cond3A_166 = arith.constant 0 : i32
      %cond3A_167 = arith.cmpi ne, %convert_element_type3A_165, %cond3A_166 : i32
      scf.if %cond3A_167 {
        %dma_start3A_293 = arith.constant 0 : i32
        %dma_start3A_294 = arith.constant 0 : i32
        %dma_start3A_295 = arith.constant 0 : i32
        %dma_start3A_296 = tpu.memref_slice %arg8[%dma_start3A_293, %dma_start3A_294, %dma_start3A_295] : memref<4x128x128xf32, #tpu.memory_space<vmem>> -> memref<1x128x128xf32, #tpu.memory_space<vmem>>
        %dma_start3A_297 = tpu.memref_squeeze %dma_start3A_296 : memref<1x128x128xf32, #tpu.memory_space<vmem>> -> memref<128x128xf32, #tpu.memory_space<vmem>>
        %dma_start3A_298 = arith.constant 0 : i32
        %dma_start3A_299 = tpu.memref_slice %arg6[%mul3A_157, %dma_start3A_298] : memref<819200x128xf32, #tpu.memory_space<hbm>> -> memref<128x128xf32, #tpu.memory_space<hbm>>
        %dma_start3A_300 = arith.constant 0 : i32
        %dma_start3A_301 = tpu.memref_slice %arg6[%mul3A_157, %dma_start3A_300] : memref<819200x128xf32, #tpu.memory_space<hbm>> -> memref<128x128xf32, #tpu.memory_space<hbm>>
        %dma_start3A_302 = arith.constant 0 : i32
        %dma_start3A_303 = arith.constant 0 : i32
        %dma_start3A_304 = tpu.memref_slice %arg8[%dma_start3A_293, %dma_start3A_302, %dma_start3A_303] : memref<4x128x128xf32, #tpu.memory_space<vmem>> -> memref<1x128x128xf32, #tpu.memory_space<vmem>>
        %dma_start3A_305 = tpu.memref_squeeze %dma_start3A_304 : memref<1x128x128xf32, #tpu.memory_space<vmem>> -> memref<128x128xf32, #tpu.memory_space<vmem>>
        tpu.enqueue_dma source(%dma_start3A_305 : memref<128x128xf32, #tpu.memory_space<vmem>>) target(%dma_start3A_301 : memref<128x128xf32, #tpu.memory_space<hbm>>) target_semaphore(%arg14 : memref<!tpu.dma_semaphore, #tpu.memory_space<semaphore_mem>>)
      } else {
      }
      %dma_wait3A_168 = arith.constant 1 : i32
      %dma_wait3A_169 = arith.constant 0 : i32
      %dma_wait3A_170 = arith.constant 0 : i32
      %dma_wait3A_171 = tpu.memref_slice %arg8[%dma_wait3A_168, %dma_wait3A_169, %dma_wait3A_170] : memref<4x128x128xf32, #tpu.memory_space<vmem>> -> memref<1x8x128xf32, #tpu.memory_space<vmem>>
      %dma_wait3A_172 = tpu.memref_squeeze %dma_wait3A_171 : memref<1x8x128xf32, #tpu.memory_space<vmem>> -> memref<8x128xf32, #tpu.memory_space<vmem>>
      %dma_wait3A_173 = arith.constant 0 : i32
      %dma_wait3A_174 = arith.constant 0 : i32
      %dma_wait3A_175 = tpu.memref_slice %arg9[%dma_wait3A_173, %dma_wait3A_174] : memref<1000x128xf32, #tpu.memory_space<vmem_shared>> -> memref<8x128xf32, #tpu.memory_space<vmem_shared>>
      %dma_wait3A_176 = arith.constant 0 : i32
      %dma_wait3A_177 = arith.constant 0 : i32
      %dma_wait3A_178 = tpu.memref_slice %arg8[%dma_wait3A_168, %dma_wait3A_176, %dma_wait3A_177] : memref<4x128x128xf32, #tpu.memory_space<vmem>> -> memref<1x8x128xf32, #tpu.memory_space<vmem>>
      %dma_wait3A_179 = tpu.memref_squeeze %dma_wait3A_178 : memref<1x8x128xf32, #tpu.memory_space<vmem>> -> memref<8x128xf32, #tpu.memory_space<vmem>>
      %dma_wait3A_180 = arith.constant 0 : i32
      %dma_wait3A_181 = arith.constant 0 : i32
      %dma_wait3A_182 = tpu.memref_slice %arg9[%dma_wait3A_180, %dma_wait3A_181] : memref<1000x128xf32, #tpu.memory_space<vmem_shared>> -> memref<8x128xf32, #tpu.memory_space<vmem_shared>>
      tpu.wait_dma2 semaphore(%arg11 : memref<!tpu.dma_semaphore, #tpu.memory_space<semaphore_mem>>) src(%dma_wait3A_182 : memref<8x128xf32, #tpu.memory_space<vmem_shared>>) dst(%dma_wait3A_179 : memref<8x128xf32, #tpu.memory_space<vmem>>)
      %add3A_183 = arith.constant 1 : i32
      %add3A_184 = arith.addi %mul3A_138, %add3A_183 : i32
      %add3A_185 = arith.addi %mul3A_0, %add3A_184 : i32
      %mul3A_186 = arith.constant 128 : i32
      %mul3A_187 = arith.muli %add3A_185, %mul3A_186 : i32
      %eq3A_188 = arith.constant 0 : i32
      %eq3A_189 = arith.cmpi eq, %arg0, %eq3A_188 : i32
      %convert_element_type3A_190 = arith.extui %eq3A_189 : i1 to i32
      %cond3A_191 = arith.constant 0 : i32
      %cond3A_192 = arith.cmpi ne, %convert_element_type3A_190, %cond3A_191 : i32
      scf.if %cond3A_192 {
        %dma_start3A_293 = arith.constant 1 : i32
        %dma_start3A_294 = arith.constant 0 : i32
        %dma_start3A_295 = arith.constant 0 : i32
        %dma_start3A_296 = tpu.memref_slice %arg8[%dma_start3A_293, %dma_start3A_294, %dma_start3A_295] : memref<4x128x128xf32, #tpu.memory_space<vmem>> -> memref<1x128x128xf32, #tpu.memory_space<vmem>>
        %dma_start3A_297 = tpu.memref_squeeze %dma_start3A_296 : memref<1x128x128xf32, #tpu.memory_space<vmem>> -> memref<128x128xf32, #tpu.memory_space<vmem>>
        %dma_start3A_298 = arith.constant 0 : i32
        %dma_start3A_299 = tpu.memref_slice %arg5[%mul3A_187, %dma_start3A_298] : memref<819200x128xf32, #tpu.memory_space<hbm>> -> memref<128x128xf32, #tpu.memory_space<hbm>>
        %dma_start3A_300 = arith.constant 0 : i32
        %dma_start3A_301 = tpu.memref_slice %arg5[%mul3A_187, %dma_start3A_300] : memref<819200x128xf32, #tpu.memory_space<hbm>> -> memref<128x128xf32, #tpu.memory_space<hbm>>
        %dma_start3A_302 = arith.constant 0 : i32
        %dma_start3A_303 = arith.constant 0 : i32
        %dma_start3A_304 = tpu.memref_slice %arg8[%dma_start3A_293, %dma_start3A_302, %dma_start3A_303] : memref<4x128x128xf32, #tpu.memory_space<vmem>> -> memref<1x128x128xf32, #tpu.memory_space<vmem>>
        %dma_start3A_305 = tpu.memref_squeeze %dma_start3A_304 : memref<1x128x128xf32, #tpu.memory_space<vmem>> -> memref<128x128xf32, #tpu.memory_space<vmem>>
        tpu.enqueue_dma source(%dma_start3A_305 : memref<128x128xf32, #tpu.memory_space<vmem>>) target(%dma_start3A_301 : memref<128x128xf32, #tpu.memory_space<hbm>>) target_semaphore(%arg15 : memref<!tpu.dma_semaphore, #tpu.memory_space<semaphore_mem>>)
      } else {
      }
      %eq3A_193 = arith.constant 1 : i32
      %eq3A_194 = arith.cmpi eq, %arg0, %eq3A_193 : i32
      %convert_element_type3A_195 = arith.extui %eq3A_194 : i1 to i32
      %cond3A_196 = arith.constant 0 : i32
      %cond3A_197 = arith.cmpi ne, %convert_element_type3A_195, %cond3A_196 : i32
      scf.if %cond3A_197 {
        %dma_start3A_293 = arith.constant 1 : i32
        %dma_start3A_294 = arith.constant 0 : i32
        %dma_start3A_295 = arith.constant 0 : i32
        %dma_start3A_296 = tpu.memref_slice %arg8[%dma_start3A_293, %dma_start3A_294, %dma_start3A_295] : memref<4x128x128xf32, #tpu.memory_space<vmem>> -> memref<1x128x128xf32, #tpu.memory_space<vmem>>
        %dma_start3A_297 = tpu.memref_squeeze %dma_start3A_296 : memref<1x128x128xf32, #tpu.memory_space<vmem>> -> memref<128x128xf32, #tpu.memory_space<vmem>>
        %dma_start3A_298 = arith.constant 0 : i32
        %dma_start3A_299 = tpu.memref_slice %arg6[%mul3A_187, %dma_start3A_298] : memref<819200x128xf32, #tpu.memory_space<hbm>> -> memref<128x128xf32, #tpu.memory_space<hbm>>
        %dma_start3A_300 = arith.constant 0 : i32
        %dma_start3A_301 = tpu.memref_slice %arg6[%mul3A_187, %dma_start3A_300] : memref<819200x128xf32, #tpu.memory_space<hbm>> -> memref<128x128xf32, #tpu.memory_space<hbm>>
        %dma_start3A_302 = arith.constant 0 : i32
        %dma_start3A_303 = arith.constant 0 : i32
        %dma_start3A_304 = tpu.memref_slice %arg8[%dma_start3A_293, %dma_start3A_302, %dma_start3A_303] : memref<4x128x128xf32, #tpu.memory_space<vmem>> -> memref<1x128x128xf32, #tpu.memory_space<vmem>>
        %dma_start3A_305 = tpu.memref_squeeze %dma_start3A_304 : memref<1x128x128xf32, #tpu.memory_space<vmem>> -> memref<128x128xf32, #tpu.memory_space<vmem>>
        tpu.enqueue_dma source(%dma_start3A_305 : memref<128x128xf32, #tpu.memory_space<vmem>>) target(%dma_start3A_301 : memref<128x128xf32, #tpu.memory_space<hbm>>) target_semaphore(%arg15 : memref<!tpu.dma_semaphore, #tpu.memory_space<semaphore_mem>>)
      } else {
      }
      %dma_wait3A_198 = arith.constant 2 : i32
      %dma_wait3A_199 = arith.constant 0 : i32
      %dma_wait3A_200 = arith.constant 0 : i32
      %dma_wait3A_201 = tpu.memref_slice %arg8[%dma_wait3A_198, %dma_wait3A_199, %dma_wait3A_200] : memref<4x128x128xf32, #tpu.memory_space<vmem>> -> memref<1x8x128xf32, #tpu.memory_space<vmem>>
      %dma_wait3A_202 = tpu.memref_squeeze %dma_wait3A_201 : memref<1x8x128xf32, #tpu.memory_space<vmem>> -> memref<8x128xf32, #tpu.memory_space<vmem>>
      %dma_wait3A_203 = arith.constant 0 : i32
      %dma_wait3A_204 = arith.constant 0 : i32
      %dma_wait3A_205 = tpu.memref_slice %arg9[%dma_wait3A_203, %dma_wait3A_204] : memref<1000x128xf32, #tpu.memory_space<vmem_shared>> -> memref<8x128xf32, #tpu.memory_space<vmem_shared>>
      %dma_wait3A_206 = arith.constant 0 : i32
      %dma_wait3A_207 = arith.constant 0 : i32
      %dma_wait3A_208 = tpu.memref_slice %arg8[%dma_wait3A_198, %dma_wait3A_206, %dma_wait3A_207] : memref<4x128x128xf32, #tpu.memory_space<vmem>> -> memref<1x8x128xf32, #tpu.memory_space<vmem>>
      %dma_wait3A_209 = tpu.memref_squeeze %dma_wait3A_208 : memref<1x8x128xf32, #tpu.memory_space<vmem>> -> memref<8x128xf32, #tpu.memory_space<vmem>>
      %dma_wait3A_210 = arith.constant 0 : i32
      %dma_wait3A_211 = arith.constant 0 : i32
      %dma_wait3A_212 = tpu.memref_slice %arg9[%dma_wait3A_210, %dma_wait3A_211] : memref<1000x128xf32, #tpu.memory_space<vmem_shared>> -> memref<8x128xf32, #tpu.memory_space<vmem_shared>>
      tpu.wait_dma2 semaphore(%arg12 : memref<!tpu.dma_semaphore, #tpu.memory_space<semaphore_mem>>) src(%dma_wait3A_212 : memref<8x128xf32, #tpu.memory_space<vmem_shared>>) dst(%dma_wait3A_209 : memref<8x128xf32, #tpu.memory_space<vmem>>)
      %add3A_213 = arith.constant 2 : i32
      %add3A_214 = arith.addi %mul3A_138, %add3A_213 : i32
      %add3A_215 = arith.addi %mul3A_0, %add3A_214 : i32
      %mul3A_216 = arith.constant 128 : i32
      %mul3A_217 = arith.muli %add3A_215, %mul3A_216 : i32
      %eq3A_218 = arith.constant 0 : i32
      %eq3A_219 = arith.cmpi eq, %arg0, %eq3A_218 : i32
      %convert_element_type3A_220 = arith.extui %eq3A_219 : i1 to i32
      %cond3A_221 = arith.constant 0 : i32
      %cond3A_222 = arith.cmpi ne, %convert_element_type3A_220, %cond3A_221 : i32
      scf.if %cond3A_222 {
        %dma_start3A_293 = arith.constant 2 : i32
        %dma_start3A_294 = arith.constant 0 : i32
        %dma_start3A_295 = arith.constant 0 : i32
        %dma_start3A_296 = tpu.memref_slice %arg8[%dma_start3A_293, %dma_start3A_294, %dma_start3A_295] : memref<4x128x128xf32, #tpu.memory_space<vmem>> -> memref<1x128x128xf32, #tpu.memory_space<vmem>>
        %dma_start3A_297 = tpu.memref_squeeze %dma_start3A_296 : memref<1x128x128xf32, #tpu.memory_space<vmem>> -> memref<128x128xf32, #tpu.memory_space<vmem>>
        %dma_start3A_298 = arith.constant 0 : i32
        %dma_start3A_299 = tpu.memref_slice %arg5[%mul3A_217, %dma_start3A_298] : memref<819200x128xf32, #tpu.memory_space<hbm>> -> memref<128x128xf32, #tpu.memory_space<hbm>>
        %dma_start3A_300 = arith.constant 0 : i32
        %dma_start3A_301 = tpu.memref_slice %arg5[%mul3A_217, %dma_start3A_300] : memref<819200x128xf32, #tpu.memory_space<hbm>> -> memref<128x128xf32, #tpu.memory_space<hbm>>
        %dma_start3A_302 = arith.constant 0 : i32
        %dma_start3A_303 = arith.constant 0 : i32
        %dma_start3A_304 = tpu.memref_slice %arg8[%dma_start3A_293, %dma_start3A_302, %dma_start3A_303] : memref<4x128x128xf32, #tpu.memory_space<vmem>> -> memref<1x128x128xf32, #tpu.memory_space<vmem>>
        %dma_start3A_305 = tpu.memref_squeeze %dma_start3A_304 : memref<1x128x128xf32, #tpu.memory_space<vmem>> -> memref<128x128xf32, #tpu.memory_space<vmem>>
        tpu.enqueue_dma source(%dma_start3A_305 : memref<128x128xf32, #tpu.memory_space<vmem>>) target(%dma_start3A_301 : memref<128x128xf32, #tpu.memory_space<hbm>>) target_semaphore(%arg16 : memref<!tpu.dma_semaphore, #tpu.memory_space<semaphore_mem>>)
      } else {
      }
      %eq3A_223 = arith.constant 1 : i32
      %eq3A_224 = arith.cmpi eq, %arg0, %eq3A_223 : i32
      %convert_element_type3A_225 = arith.extui %eq3A_224 : i1 to i32
      %cond3A_226 = arith.constant 0 : i32
      %cond3A_227 = arith.cmpi ne, %convert_element_type3A_225, %cond3A_226 : i32
      scf.if %cond3A_227 {
        %dma_start3A_293 = arith.constant 2 : i32
        %dma_start3A_294 = arith.constant 0 : i32
        %dma_start3A_295 = arith.constant 0 : i32
        %dma_start3A_296 = tpu.memref_slice %arg8[%dma_start3A_293, %dma_start3A_294, %dma_start3A_295] : memref<4x128x128xf32, #tpu.memory_space<vmem>> -> memref<1x128x128xf32, #tpu.memory_space<vmem>>
        %dma_start3A_297 = tpu.memref_squeeze %dma_start3A_296 : memref<1x128x128xf32, #tpu.memory_space<vmem>> -> memref<128x128xf32, #tpu.memory_space<vmem>>
        %dma_start3A_298 = arith.constant 0 : i32
        %dma_start3A_299 = tpu.memref_slice %arg6[%mul3A_217, %dma_start3A_298] : memref<819200x128xf32, #tpu.memory_space<hbm>> -> memref<128x128xf32, #tpu.memory_space<hbm>>
        %dma_start3A_300 = arith.constant 0 : i32
        %dma_start3A_301 = tpu.memref_slice %arg6[%mul3A_217, %dma_start3A_300] : memref<819200x128xf32, #tpu.memory_space<hbm>> -> memref<128x128xf32, #tpu.memory_space<hbm>>
        %dma_start3A_302 = arith.constant 0 : i32
        %dma_start3A_303 = arith.constant 0 : i32
        %dma_start3A_304 = tpu.memref_slice %arg8[%dma_start3A_293, %dma_start3A_302, %dma_start3A_303] : memref<4x128x128xf32, #tpu.memory_space<vmem>> -> memref<1x128x128xf32, #tpu.memory_space<vmem>>
        %dma_start3A_305 = tpu.memref_squeeze %dma_start3A_304 : memref<1x128x128xf32, #tpu.memory_space<vmem>> -> memref<128x128xf32, #tpu.memory_space<vmem>>
        tpu.enqueue_dma source(%dma_start3A_305 : memref<128x128xf32, #tpu.memory_space<vmem>>) target(%dma_start3A_301 : memref<128x128xf32, #tpu.memory_space<hbm>>) target_semaphore(%arg16 : memref<!tpu.dma_semaphore, #tpu.memory_space<semaphore_mem>>)
      } else {
      }
      %dma_wait3A_228 = arith.constant 3 : i32
      %dma_wait3A_229 = arith.constant 0 : i32
      %dma_wait3A_230 = arith.constant 0 : i32
      %dma_wait3A_231 = tpu.memref_slice %arg8[%dma_wait3A_228, %dma_wait3A_229, %dma_wait3A_230] : memref<4x128x128xf32, #tpu.memory_space<vmem>> -> memref<1x8x128xf32, #tpu.memory_space<vmem>>
      %dma_wait3A_232 = tpu.memref_squeeze %dma_wait3A_231 : memref<1x8x128xf32, #tpu.memory_space<vmem>> -> memref<8x128xf32, #tpu.memory_space<vmem>>
      %dma_wait3A_233 = arith.constant 0 : i32
      %dma_wait3A_234 = arith.constant 0 : i32
      %dma_wait3A_235 = tpu.memref_slice %arg9[%dma_wait3A_233, %dma_wait3A_234] : memref<1000x128xf32, #tpu.memory_space<vmem_shared>> -> memref<8x128xf32, #tpu.memory_space<vmem_shared>>
      %dma_wait3A_236 = arith.constant 0 : i32
      %dma_wait3A_237 = arith.constant 0 : i32
      %dma_wait3A_238 = tpu.memref_slice %arg8[%dma_wait3A_228, %dma_wait3A_236, %dma_wait3A_237] : memref<4x128x128xf32, #tpu.memory_space<vmem>> -> memref<1x8x128xf32, #tpu.memory_space<vmem>>
      %dma_wait3A_239 = tpu.memref_squeeze %dma_wait3A_238 : memref<1x8x128xf32, #tpu.memory_space<vmem>> -> memref<8x128xf32, #tpu.memory_space<vmem>>
      %dma_wait3A_240 = arith.constant 0 : i32
      %dma_wait3A_241 = arith.constant 0 : i32
      %dma_wait3A_242 = tpu.memref_slice %arg9[%dma_wait3A_240, %dma_wait3A_241] : memref<1000x128xf32, #tpu.memory_space<vmem_shared>> -> memref<8x128xf32, #tpu.memory_space<vmem_shared>>
      tpu.wait_dma2 semaphore(%arg13 : memref<!tpu.dma_semaphore, #tpu.memory_space<semaphore_mem>>) src(%dma_wait3A_242 : memref<8x128xf32, #tpu.memory_space<vmem_shared>>) dst(%dma_wait3A_239 : memref<8x128xf32, #tpu.memory_space<vmem>>)
      %add3A_243 = arith.constant 3 : i32
      %add3A_244 = arith.addi %mul3A_138, %add3A_243 : i32
      %add3A_245 = arith.addi %mul3A_0, %add3A_244 : i32
      %mul3A_246 = arith.constant 128 : i32
      %mul3A_247 = arith.muli %add3A_245, %mul3A_246 : i32
      %eq3A_248 = arith.constant 0 : i32
      %eq3A_249 = arith.cmpi eq, %arg0, %eq3A_248 : i32
      %convert_element_type3A_250 = arith.extui %eq3A_249 : i1 to i32
      %cond3A_251 = arith.constant 0 : i32
      %cond3A_252 = arith.cmpi ne, %convert_element_type3A_250, %cond3A_251 : i32
      scf.if %cond3A_252 {
        %dma_start3A_293 = arith.constant 3 : i32
        %dma_start3A_294 = arith.constant 0 : i32
        %dma_start3A_295 = arith.constant 0 : i32
        %dma_start3A_296 = tpu.memref_slice %arg8[%dma_start3A_293, %dma_start3A_294, %dma_start3A_295] : memref<4x128x128xf32, #tpu.memory_space<vmem>> -> memref<1x128x128xf32, #tpu.memory_space<vmem>>
        %dma_start3A_297 = tpu.memref_squeeze %dma_start3A_296 : memref<1x128x128xf32, #tpu.memory_space<vmem>> -> memref<128x128xf32, #tpu.memory_space<vmem>>
        %dma_start3A_298 = arith.constant 0 : i32
        %dma_start3A_299 = tpu.memref_slice %arg5[%mul3A_247, %dma_start3A_298] : memref<819200x128xf32, #tpu.memory_space<hbm>> -> memref<128x128xf32, #tpu.memory_space<hbm>>
        %dma_start3A_300 = arith.constant 0 : i32
        %dma_start3A_301 = tpu.memref_slice %arg5[%mul3A_247, %dma_start3A_300] : memref<819200x128xf32, #tpu.memory_space<hbm>> -> memref<128x128xf32, #tpu.memory_space<hbm>>
        %dma_start3A_302 = arith.constant 0 : i32
        %dma_start3A_303 = arith.constant 0 : i32
        %dma_start3A_304 = tpu.memref_slice %arg8[%dma_start3A_293, %dma_start3A_302, %dma_start3A_303] : memref<4x128x128xf32, #tpu.memory_space<vmem>> -> memref<1x128x128xf32, #tpu.memory_space<vmem>>
        %dma_start3A_305 = tpu.memref_squeeze %dma_start3A_304 : memref<1x128x128xf32, #tpu.memory_space<vmem>> -> memref<128x128xf32, #tpu.memory_space<vmem>>
        tpu.enqueue_dma source(%dma_start3A_305 : memref<128x128xf32, #tpu.memory_space<vmem>>) target(%dma_start3A_301 : memref<128x128xf32, #tpu.memory_space<hbm>>) target_semaphore(%arg17 : memref<!tpu.dma_semaphore, #tpu.memory_space<semaphore_mem>>)
      } else {
      }
      %eq3A_253 = arith.constant 1 : i32
      %eq3A_254 = arith.cmpi eq, %arg0, %eq3A_253 : i32
      %convert_element_type3A_255 = arith.extui %eq3A_254 : i1 to i32
      %cond3A_256 = arith.constant 0 : i32
      %cond3A_257 = arith.cmpi ne, %convert_element_type3A_255, %cond3A_256 : i32
      scf.if %cond3A_257 {
        %dma_start3A_293 = arith.constant 3 : i32
        %dma_start3A_294 = arith.constant 0 : i32
        %dma_start3A_295 = arith.constant 0 : i32
        %dma_start3A_296 = tpu.memref_slice %arg8[%dma_start3A_293, %dma_start3A_294, %dma_start3A_295] : memref<4x128x128xf32, #tpu.memory_space<vmem>> -> memref<1x128x128xf32, #tpu.memory_space<vmem>>
        %dma_start3A_297 = tpu.memref_squeeze %dma_start3A_296 : memref<1x128x128xf32, #tpu.memory_space<vmem>> -> memref<128x128xf32, #tpu.memory_space<vmem>>
        %dma_start3A_298 = arith.constant 0 : i32
        %dma_start3A_299 = tpu.memref_slice %arg6[%mul3A_247, %dma_start3A_298] : memref<819200x128xf32, #tpu.memory_space<hbm>> -> memref<128x128xf32, #tpu.memory_space<hbm>>
        %dma_start3A_300 = arith.constant 0 : i32
        %dma_start3A_301 = tpu.memref_slice %arg6[%mul3A_247, %dma_start3A_300] : memref<819200x128xf32, #tpu.memory_space<hbm>> -> memref<128x128xf32, #tpu.memory_space<hbm>>
        %dma_start3A_302 = arith.constant 0 : i32
        %dma_start3A_303 = arith.constant 0 : i32
        %dma_start3A_304 = tpu.memref_slice %arg8[%dma_start3A_293, %dma_start3A_302, %dma_start3A_303] : memref<4x128x128xf32, #tpu.memory_space<vmem>> -> memref<1x128x128xf32, #tpu.memory_space<vmem>>
        %dma_start3A_305 = tpu.memref_squeeze %dma_start3A_304 : memref<1x128x128xf32, #tpu.memory_space<vmem>> -> memref<128x128xf32, #tpu.memory_space<vmem>>
        tpu.enqueue_dma source(%dma_start3A_305 : memref<128x128xf32, #tpu.memory_space<vmem>>) target(%dma_start3A_301 : memref<128x128xf32, #tpu.memory_space<hbm>>) target_semaphore(%arg17 : memref<!tpu.dma_semaphore, #tpu.memory_space<semaphore_mem>>)
      } else {
      }
      %add3A_258 = arith.constant 0 : i32
      %add3A_259 = arith.addi %mul3A_138, %add3A_258 : i32
      %add3A_260 = arith.constant 4 : i32
      %add3A_261 = arith.addi %add3A_259, %add3A_260 : i32
      %lt3A = arith.constant 400 : i32
      %lt3A_262 = arith.cmpi slt, %add3A_261, %lt3A : i32
      %convert_element_type3A_263 = arith.extui %lt3A_262 : i1 to i32
      %cond3A_264 = arith.constant 0 : i32
      %cond3A_265 = arith.cmpi ne, %convert_element_type3A_263, %cond3A_264 : i32
      scf.if %cond3A_265 {
        %dma_wait3A_293 = arith.constant 0 : i32
        %dma_wait3A_294 = arith.constant 0 : i32
        %dma_wait3A_295 = arith.constant 0 : i32
        %dma_wait3A_296 = tpu.memref_slice %arg8[%dma_wait3A_293, %dma_wait3A_294, %dma_wait3A_295] : memref<4x128x128xf32, #tpu.memory_space<vmem>> -> memref<1x128x128xf32, #tpu.memory_space<vmem>>
        %dma_wait3A_297 = tpu.memref_squeeze %dma_wait3A_296 : memref<1x128x128xf32, #tpu.memory_space<vmem>> -> memref<128x128xf32, #tpu.memory_space<vmem>>
        %dma_wait3A_298 = arith.constant 0 : i32
        %dma_wait3A_299 = arith.constant 0 : i32
        %dma_wait3A_300 = tpu.memref_slice %arg5[%dma_wait3A_298, %dma_wait3A_299] : memref<819200x128xf32, #tpu.memory_space<hbm>> -> memref<128x128xf32, #tpu.memory_space<hbm>>
        %dma_wait3A_301 = arith.constant 0 : i32
        %dma_wait3A_302 = arith.constant 0 : i32
        %dma_wait3A_303 = tpu.memref_slice %arg5[%dma_wait3A_301, %dma_wait3A_302] : memref<819200x128xf32, #tpu.memory_space<hbm>> -> memref<128x128xf32, #tpu.memory_space<hbm>>
        %dma_wait3A_304 = arith.constant 0 : i32
        %dma_wait3A_305 = arith.constant 0 : i32
        %dma_wait3A_306 = tpu.memref_slice %arg8[%dma_wait3A_293, %dma_wait3A_304, %dma_wait3A_305] : memref<4x128x128xf32, #tpu.memory_space<vmem>> -> memref<1x128x128xf32, #tpu.memory_space<vmem>>
        %dma_wait3A_307 = tpu.memref_squeeze %dma_wait3A_306 : memref<1x128x128xf32, #tpu.memory_space<vmem>> -> memref<128x128xf32, #tpu.memory_space<vmem>>
        tpu.wait_dma2 semaphore(%arg14 : memref<!tpu.dma_semaphore, #tpu.memory_space<semaphore_mem>>) src(%dma_wait3A_307 : memref<128x128xf32, #tpu.memory_space<vmem>>) dst(%dma_wait3A_303 : memref<128x128xf32, #tpu.memory_space<hbm>>)
        %dma_start3A_308 = arith.constant 0 : i32
        %dma_start3A_309 = arith.constant 0 : i32
        %dma_start3A_310 = arith.constant 0 : i32
        %dma_start3A_311 = tpu.memref_slice %arg8[%dma_start3A_308, %dma_start3A_309, %dma_start3A_310] : memref<4x128x128xf32, #tpu.memory_space<vmem>> -> memref<1x8x128xf32, #tpu.memory_space<vmem>>
        %dma_start3A_312 = tpu.memref_squeeze %dma_start3A_311 : memref<1x8x128xf32, #tpu.memory_space<vmem>> -> memref<8x128xf32, #tpu.memory_space<vmem>>
        %dma_start3A_313 = arith.constant 0 : i32
        %dma_start3A_314 = arith.constant 0 : i32
        %dma_start3A_315 = tpu.memref_slice %arg9[%dma_start3A_313, %dma_start3A_314] : memref<1000x128xf32, #tpu.memory_space<vmem_shared>> -> memref<8x128xf32, #tpu.memory_space<vmem_shared>>
        %dma_start3A_316 = arith.constant 0 : i32
        %dma_start3A_317 = arith.constant 0 : i32
        %dma_start3A_318 = tpu.memref_slice %arg8[%dma_start3A_308, %dma_start3A_316, %dma_start3A_317] : memref<4x128x128xf32, #tpu.memory_space<vmem>> -> memref<1x8x128xf32, #tpu.memory_space<vmem>>
        %dma_start3A_319 = tpu.memref_squeeze %dma_start3A_318 : memref<1x8x128xf32, #tpu.memory_space<vmem>> -> memref<8x128xf32, #tpu.memory_space<vmem>>
        %dma_start3A_320 = arith.constant 0 : i32
        %dma_start3A_321 = arith.constant 0 : i32
        %dma_start3A_322 = tpu.memref_slice %arg9[%dma_start3A_320, %dma_start3A_321] : memref<1000x128xf32, #tpu.memory_space<vmem_shared>> -> memref<8x128xf32, #tpu.memory_space<vmem_shared>>
        tpu.enqueue_dma source(%dma_start3A_322 : memref<8x128xf32, #tpu.memory_space<vmem_shared>>) target(%dma_start3A_319 : memref<8x128xf32, #tpu.memory_space<vmem>>) target_semaphore(%arg10 : memref<!tpu.dma_semaphore, #tpu.memory_space<semaphore_mem>>)
      } else {
      }
      %add3A_266 = arith.constant 1 : i32
      %add3A_267 = arith.addi %mul3A_138, %add3A_266 : i32
      %add3A_268 = arith.constant 4 : i32
      %add3A_269 = arith.addi %add3A_267, %add3A_268 : i32
      %lt3A_270 = arith.constant 400 : i32
      %lt3A_271 = arith.cmpi slt, %add3A_269, %lt3A_270 : i32
      %convert_element_type3A_272 = arith.extui %lt3A_271 : i1 to i32
      %cond3A_273 = arith.constant 0 : i32
      %cond3A_274 = arith.cmpi ne, %convert_element_type3A_272, %cond3A_273 : i32
      scf.if %cond3A_274 {
        %dma_wait3A_293 = arith.constant 1 : i32
        %dma_wait3A_294 = arith.constant 0 : i32
        %dma_wait3A_295 = arith.constant 0 : i32
        %dma_wait3A_296 = tpu.memref_slice %arg8[%dma_wait3A_293, %dma_wait3A_294, %dma_wait3A_295] : memref<4x128x128xf32, #tpu.memory_space<vmem>> -> memref<1x128x128xf32, #tpu.memory_space<vmem>>
        %dma_wait3A_297 = tpu.memref_squeeze %dma_wait3A_296 : memref<1x128x128xf32, #tpu.memory_space<vmem>> -> memref<128x128xf32, #tpu.memory_space<vmem>>
        %dma_wait3A_298 = arith.constant 0 : i32
        %dma_wait3A_299 = arith.constant 0 : i32
        %dma_wait3A_300 = tpu.memref_slice %arg5[%dma_wait3A_298, %dma_wait3A_299] : memref<819200x128xf32, #tpu.memory_space<hbm>> -> memref<128x128xf32, #tpu.memory_space<hbm>>
        %dma_wait3A_301 = arith.constant 0 : i32
        %dma_wait3A_302 = arith.constant 0 : i32
        %dma_wait3A_303 = tpu.memref_slice %arg5[%dma_wait3A_301, %dma_wait3A_302] : memref<819200x128xf32, #tpu.memory_space<hbm>> -> memref<128x128xf32, #tpu.memory_space<hbm>>
        %dma_wait3A_304 = arith.constant 0 : i32
        %dma_wait3A_305 = arith.constant 0 : i32
        %dma_wait3A_306 = tpu.memref_slice %arg8[%dma_wait3A_293, %dma_wait3A_304, %dma_wait3A_305] : memref<4x128x128xf32, #tpu.memory_space<vmem>> -> memref<1x128x128xf32, #tpu.memory_space<vmem>>
        %dma_wait3A_307 = tpu.memref_squeeze %dma_wait3A_306 : memref<1x128x128xf32, #tpu.memory_space<vmem>> -> memref<128x128xf32, #tpu.memory_space<vmem>>
        tpu.wait_dma2 semaphore(%arg15 : memref<!tpu.dma_semaphore, #tpu.memory_space<semaphore_mem>>) src(%dma_wait3A_307 : memref<128x128xf32, #tpu.memory_space<vmem>>) dst(%dma_wait3A_303 : memref<128x128xf32, #tpu.memory_space<hbm>>)
        %dma_start3A_308 = arith.constant 1 : i32
        %dma_start3A_309 = arith.constant 0 : i32
        %dma_start3A_310 = arith.constant 0 : i32
        %dma_start3A_311 = tpu.memref_slice %arg8[%dma_start3A_308, %dma_start3A_309, %dma_start3A_310] : memref<4x128x128xf32, #tpu.memory_space<vmem>> -> memref<1x8x128xf32, #tpu.memory_space<vmem>>
        %dma_start3A_312 = tpu.memref_squeeze %dma_start3A_311 : memref<1x8x128xf32, #tpu.memory_space<vmem>> -> memref<8x128xf32, #tpu.memory_space<vmem>>
        %dma_start3A_313 = arith.constant 0 : i32
        %dma_start3A_314 = arith.constant 0 : i32
        %dma_start3A_315 = tpu.memref_slice %arg9[%dma_start3A_313, %dma_start3A_314] : memref<1000x128xf32, #tpu.memory_space<vmem_shared>> -> memref<8x128xf32, #tpu.memory_space<vmem_shared>>
        %dma_start3A_316 = arith.constant 0 : i32
        %dma_start3A_317 = arith.constant 0 : i32
        %dma_start3A_318 = tpu.memref_slice %arg8[%dma_start3A_308, %dma_start3A_316, %dma_start3A_317] : memref<4x128x128xf32, #tpu.memory_space<vmem>> -> memref<1x8x128xf32, #tpu.memory_space<vmem>>
        %dma_start3A_319 = tpu.memref_squeeze %dma_start3A_318 : memref<1x8x128xf32, #tpu.memory_space<vmem>> -> memref<8x128xf32, #tpu.memory_space<vmem>>
        %dma_start3A_320 = arith.constant 0 : i32
        %dma_start3A_321 = arith.constant 0 : i32
        %dma_start3A_322 = tpu.memref_slice %arg9[%dma_start3A_320, %dma_start3A_321] : memref<1000x128xf32, #tpu.memory_space<vmem_shared>> -> memref<8x128xf32, #tpu.memory_space<vmem_shared>>
        tpu.enqueue_dma source(%dma_start3A_322 : memref<8x128xf32, #tpu.memory_space<vmem_shared>>) target(%dma_start3A_319 : memref<8x128xf32, #tpu.memory_space<vmem>>) target_semaphore(%arg11 : memref<!tpu.dma_semaphore, #tpu.memory_space<semaphore_mem>>)
      } else {
      }
      %add3A_275 = arith.constant 2 : i32
      %add3A_276 = arith.addi %mul3A_138, %add3A_275 : i32
      %add3A_277 = arith.constant 4 : i32
      %add3A_278 = arith.addi %add3A_276, %add3A_277 : i32
      %lt3A_279 = arith.constant 400 : i32
      %lt3A_280 = arith.cmpi slt, %add3A_278, %lt3A_279 : i32
      %convert_element_type3A_281 = arith.extui %lt3A_280 : i1 to i32
      %cond3A_282 = arith.constant 0 : i32
      %cond3A_283 = arith.cmpi ne, %convert_element_type3A_281, %cond3A_282 : i32
      scf.if %cond3A_283 {
        %dma_wait3A_293 = arith.constant 2 : i32
        %dma_wait3A_294 = arith.constant 0 : i32
        %dma_wait3A_295 = arith.constant 0 : i32
        %dma_wait3A_296 = tpu.memref_slice %arg8[%dma_wait3A_293, %dma_wait3A_294, %dma_wait3A_295] : memref<4x128x128xf32, #tpu.memory_space<vmem>> -> memref<1x128x128xf32, #tpu.memory_space<vmem>>
        %dma_wait3A_297 = tpu.memref_squeeze %dma_wait3A_296 : memref<1x128x128xf32, #tpu.memory_space<vmem>> -> memref<128x128xf32, #tpu.memory_space<vmem>>
        %dma_wait3A_298 = arith.constant 0 : i32
        %dma_wait3A_299 = arith.constant 0 : i32
        %dma_wait3A_300 = tpu.memref_slice %arg5[%dma_wait3A_298, %dma_wait3A_299] : memref<819200x128xf32, #tpu.memory_space<hbm>> -> memref<128x128xf32, #tpu.memory_space<hbm>>
        %dma_wait3A_301 = arith.constant 0 : i32
        %dma_wait3A_302 = arith.constant 0 : i32
        %dma_wait3A_303 = tpu.memref_slice %arg5[%dma_wait3A_301, %dma_wait3A_302] : memref<819200x128xf32, #tpu.memory_space<hbm>> -> memref<128x128xf32, #tpu.memory_space<hbm>>
        %dma_wait3A_304 = arith.constant 0 : i32
        %dma_wait3A_305 = arith.constant 0 : i32
        %dma_wait3A_306 = tpu.memref_slice %arg8[%dma_wait3A_293, %dma_wait3A_304, %dma_wait3A_305] : memref<4x128x128xf32, #tpu.memory_space<vmem>> -> memref<1x128x128xf32, #tpu.memory_space<vmem>>
        %dma_wait3A_307 = tpu.memref_squeeze %dma_wait3A_306 : memref<1x128x128xf32, #tpu.memory_space<vmem>> -> memref<128x128xf32, #tpu.memory_space<vmem>>
        tpu.wait_dma2 semaphore(%arg16 : memref<!tpu.dma_semaphore, #tpu.memory_space<semaphore_mem>>) src(%dma_wait3A_307 : memref<128x128xf32, #tpu.memory_space<vmem>>) dst(%dma_wait3A_303 : memref<128x128xf32, #tpu.memory_space<hbm>>)
        %dma_start3A_308 = arith.constant 2 : i32
        %dma_start3A_309 = arith.constant 0 : i32
        %dma_start3A_310 = arith.constant 0 : i32
        %dma_start3A_311 = tpu.memref_slice %arg8[%dma_start3A_308, %dma_start3A_309, %dma_start3A_310] : memref<4x128x128xf32, #tpu.memory_space<vmem>> -> memref<1x8x128xf32, #tpu.memory_space<vmem>>
        %dma_start3A_312 = tpu.memref_squeeze %dma_start3A_311 : memref<1x8x128xf32, #tpu.memory_space<vmem>> -> memref<8x128xf32, #tpu.memory_space<vmem>>
        %dma_start3A_313 = arith.constant 0 : i32
        %dma_start3A_314 = arith.constant 0 : i32
        %dma_start3A_315 = tpu.memref_slice %arg9[%dma_start3A_313, %dma_start3A_314] : memref<1000x128xf32, #tpu.memory_space<vmem_shared>> -> memref<8x128xf32, #tpu.memory_space<vmem_shared>>
        %dma_start3A_316 = arith.constant 0 : i32
        %dma_start3A_317 = arith.constant 0 : i32
        %dma_start3A_318 = tpu.memref_slice %arg8[%dma_start3A_308, %dma_start3A_316, %dma_start3A_317] : memref<4x128x128xf32, #tpu.memory_space<vmem>> -> memref<1x8x128xf32, #tpu.memory_space<vmem>>
        %dma_start3A_319 = tpu.memref_squeeze %dma_start3A_318 : memref<1x8x128xf32, #tpu.memory_space<vmem>> -> memref<8x128xf32, #tpu.memory_space<vmem>>
        %dma_start3A_320 = arith.constant 0 : i32
        %dma_start3A_321 = arith.constant 0 : i32
        %dma_start3A_322 = tpu.memref_slice %arg9[%dma_start3A_320, %dma_start3A_321] : memref<1000x128xf32, #tpu.memory_space<vmem_shared>> -> memref<8x128xf32, #tpu.memory_space<vmem_shared>>
        tpu.enqueue_dma source(%dma_start3A_322 : memref<8x128xf32, #tpu.memory_space<vmem_shared>>) target(%dma_start3A_319 : memref<8x128xf32, #tpu.memory_space<vmem>>) target_semaphore(%arg12 : memref<!tpu.dma_semaphore, #tpu.memory_space<semaphore_mem>>)
      } else {
      }
      %add3A_284 = arith.constant 3 : i32
      %add3A_285 = arith.addi %mul3A_138, %add3A_284 : i32
      %add3A_286 = arith.constant 4 : i32
      %add3A_287 = arith.addi %add3A_285, %add3A_286 : i32
      %lt3A_288 = arith.constant 400 : i32
      %lt3A_289 = arith.cmpi slt, %add3A_287, %lt3A_288 : i32
      %convert_element_type3A_290 = arith.extui %lt3A_289 : i1 to i32
      %cond3A_291 = arith.constant 0 : i32
      %cond3A_292 = arith.cmpi ne, %convert_element_type3A_290, %cond3A_291 : i32
      scf.if %cond3A_292 {
        %dma_wait3A_293 = arith.constant 3 : i32
        %dma_wait3A_294 = arith.constant 0 : i32
        %dma_wait3A_295 = arith.constant 0 : i32
        %dma_wait3A_296 = tpu.memref_slice %arg8[%dma_wait3A_293, %dma_wait3A_294, %dma_wait3A_295] : memref<4x128x128xf32, #tpu.memory_space<vmem>> -> memref<1x128x128xf32, #tpu.memory_space<vmem>>
        %dma_wait3A_297 = tpu.memref_squeeze %dma_wait3A_296 : memref<1x128x128xf32, #tpu.memory_space<vmem>> -> memref<128x128xf32, #tpu.memory_space<vmem>>
        %dma_wait3A_298 = arith.constant 0 : i32
        %dma_wait3A_299 = arith.constant 0 : i32
        %dma_wait3A_300 = tpu.memref_slice %arg5[%dma_wait3A_298, %dma_wait3A_299] : memref<819200x128xf32, #tpu.memory_space<hbm>> -> memref<128x128xf32, #tpu.memory_space<hbm>>
        %dma_wait3A_301 = arith.constant 0 : i32
        %dma_wait3A_302 = arith.constant 0 : i32
        %dma_wait3A_303 = tpu.memref_slice %arg5[%dma_wait3A_301, %dma_wait3A_302] : memref<819200x128xf32, #tpu.memory_space<hbm>> -> memref<128x128xf32, #tpu.memory_space<hbm>>
        %dma_wait3A_304 = arith.constant 0 : i32
        %dma_wait3A_305 = arith.constant 0 : i32
        %dma_wait3A_306 = tpu.memref_slice %arg8[%dma_wait3A_293, %dma_wait3A_304, %dma_wait3A_305] : memref<4x128x128xf32, #tpu.memory_space<vmem>> -> memref<1x128x128xf32, #tpu.memory_space<vmem>>
        %dma_wait3A_307 = tpu.memref_squeeze %dma_wait3A_306 : memref<1x128x128xf32, #tpu.memory_space<vmem>> -> memref<128x128xf32, #tpu.memory_space<vmem>>
        tpu.wait_dma2 semaphore(%arg17 : memref<!tpu.dma_semaphore, #tpu.memory_space<semaphore_mem>>) src(%dma_wait3A_307 : memref<128x128xf32, #tpu.memory_space<vmem>>) dst(%dma_wait3A_303 : memref<128x128xf32, #tpu.memory_space<hbm>>)
        %dma_start3A_308 = arith.constant 3 : i32
        %dma_start3A_309 = arith.constant 0 : i32
        %dma_start3A_310 = arith.constant 0 : i32
        %dma_start3A_311 = tpu.memref_slice %arg8[%dma_start3A_308, %dma_start3A_309, %dma_start3A_310] : memref<4x128x128xf32, #tpu.memory_space<vmem>> -> memref<1x8x128xf32, #tpu.memory_space<vmem>>
        %dma_start3A_312 = tpu.memref_squeeze %dma_start3A_311 : memref<1x8x128xf32, #tpu.memory_space<vmem>> -> memref<8x128xf32, #tpu.memory_space<vmem>>
        %dma_start3A_313 = arith.constant 0 : i32
        %dma_start3A_314 = arith.constant 0 : i32
        %dma_start3A_315 = tpu.memref_slice %arg9[%dma_start3A_313, %dma_start3A_314] : memref<1000x128xf32, #tpu.memory_space<vmem_shared>> -> memref<8x128xf32, #tpu.memory_space<vmem_shared>>
        %dma_start3A_316 = arith.constant 0 : i32
        %dma_start3A_317 = arith.constant 0 : i32
        %dma_start3A_318 = tpu.memref_slice %arg8[%dma_start3A_308, %dma_start3A_316, %dma_start3A_317] : memref<4x128x128xf32, #tpu.memory_space<vmem>> -> memref<1x8x128xf32, #tpu.memory_space<vmem>>
        %dma_start3A_319 = tpu.memref_squeeze %dma_start3A_318 : memref<1x8x128xf32, #tpu.memory_space<vmem>> -> memref<8x128xf32, #tpu.memory_space<vmem>>
        %dma_start3A_320 = arith.constant 0 : i32
        %dma_start3A_321 = arith.constant 0 : i32
        %dma_start3A_322 = tpu.memref_slice %arg9[%dma_start3A_320, %dma_start3A_321] : memref<1000x128xf32, #tpu.memory_space<vmem_shared>> -> memref<8x128xf32, #tpu.memory_space<vmem_shared>>
        tpu.enqueue_dma source(%dma_start3A_322 : memref<8x128xf32, #tpu.memory_space<vmem_shared>>) target(%dma_start3A_319 : memref<8x128xf32, #tpu.memory_space<vmem>>) target_semaphore(%arg13 : memref<!tpu.dma_semaphore, #tpu.memory_space<semaphore_mem>>)
      } else {
      }
    }
    %scan3A_76 = arith.constant 100 : i32
    %dma_wait3A = arith.constant 0 : i32
    %dma_wait3A_77 = arith.constant 0 : i32
    %dma_wait3A_78 = arith.constant 0 : i32
    %dma_wait3A_79 = tpu.memref_slice %arg8[%dma_wait3A, %dma_wait3A_77, %dma_wait3A_78] : memref<4x128x128xf32, #tpu.memory_space<vmem>> -> memref<1x128x128xf32, #tpu.memory_space<vmem>>
    %dma_wait3A_80 = tpu.memref_squeeze %dma_wait3A_79 : memref<1x128x128xf32, #tpu.memory_space<vmem>> -> memref<128x128xf32, #tpu.memory_space<vmem>>
    %dma_wait3A_81 = arith.constant 0 : i32
    %dma_wait3A_82 = arith.constant 0 : i32
    %dma_wait3A_83 = tpu.memref_slice %arg5[%dma_wait3A_81, %dma_wait3A_82] : memref<819200x128xf32, #tpu.memory_space<hbm>> -> memref<128x128xf32, #tpu.memory_space<hbm>>
    %dma_wait3A_84 = arith.constant 0 : i32
    %dma_wait3A_85 = arith.constant 0 : i32
    %dma_wait3A_86 = tpu.memref_slice %arg5[%dma_wait3A_84, %dma_wait3A_85] : memref<819200x128xf32, #tpu.memory_space<hbm>> -> memref<128x128xf32, #tpu.memory_space<hbm>>
    %dma_wait3A_87 = arith.constant 0 : i32
    %dma_wait3A_88 = arith.constant 0 : i32
    %dma_wait3A_89 = tpu.memref_slice %arg8[%dma_wait3A, %dma_wait3A_87, %dma_wait3A_88] : memref<4x128x128xf32, #tpu.memory_space<vmem>> -> memref<1x128x128xf32, #tpu.memory_space<vmem>>
    %dma_wait3A_90 = tpu.memref_squeeze %dma_wait3A_89 : memref<1x128x128xf32, #tpu.memory_space<vmem>> -> memref<128x128xf32, #tpu.memory_space<vmem>>
    tpu.wait_dma2 semaphore(%arg14 : memref<!tpu.dma_semaphore, #tpu.memory_space<semaphore_mem>>) src(%dma_wait3A_90 : memref<128x128xf32, #tpu.memory_space<vmem>>) dst(%dma_wait3A_86 : memref<128x128xf32, #tpu.memory_space<hbm>>)
    %dma_wait3A_91 = arith.constant 1 : i32
    %dma_wait3A_92 = arith.constant 0 : i32
    %dma_wait3A_93 = arith.constant 0 : i32
    %dma_wait3A_94 = tpu.memref_slice %arg8[%dma_wait3A_91, %dma_wait3A_92, %dma_wait3A_93] : memref<4x128x128xf32, #tpu.memory_space<vmem>> -> memref<1x128x128xf32, #tpu.memory_space<vmem>>
    %dma_wait3A_95 = tpu.memref_squeeze %dma_wait3A_94 : memref<1x128x128xf32, #tpu.memory_space<vmem>> -> memref<128x128xf32, #tpu.memory_space<vmem>>
    %dma_wait3A_96 = arith.constant 0 : i32
    %dma_wait3A_97 = arith.constant 0 : i32
    %dma_wait3A_98 = tpu.memref_slice %arg5[%dma_wait3A_96, %dma_wait3A_97] : memref<819200x128xf32, #tpu.memory_space<hbm>> -> memref<128x128xf32, #tpu.memory_space<hbm>>
    %dma_wait3A_99 = arith.constant 0 : i32
    %dma_wait3A_100 = arith.constant 0 : i32
    %dma_wait3A_101 = tpu.memref_slice %arg5[%dma_wait3A_99, %dma_wait3A_100] : memref<819200x128xf32, #tpu.memory_space<hbm>> -> memref<128x128xf32, #tpu.memory_space<hbm>>
    %dma_wait3A_102 = arith.constant 0 : i32
    %dma_wait3A_103 = arith.constant 0 : i32
    %dma_wait3A_104 = tpu.memref_slice %arg8[%dma_wait3A_91, %dma_wait3A_102, %dma_wait3A_103] : memref<4x128x128xf32, #tpu.memory_space<vmem>> -> memref<1x128x128xf32, #tpu.memory_space<vmem>>
    %dma_wait3A_105 = tpu.memref_squeeze %dma_wait3A_104 : memref<1x128x128xf32, #tpu.memory_space<vmem>> -> memref<128x128xf32, #tpu.memory_space<vmem>>
    tpu.wait_dma2 semaphore(%arg15 : memref<!tpu.dma_semaphore, #tpu.memory_space<semaphore_mem>>) src(%dma_wait3A_105 : memref<128x128xf32, #tpu.memory_space<vmem>>) dst(%dma_wait3A_101 : memref<128x128xf32, #tpu.memory_space<hbm>>)
    %dma_wait3A_106 = arith.constant 2 : i32
    %dma_wait3A_107 = arith.constant 0 : i32
    %dma_wait3A_108 = arith.constant 0 : i32
    %dma_wait3A_109 = tpu.memref_slice %arg8[%dma_wait3A_106, %dma_wait3A_107, %dma_wait3A_108] : memref<4x128x128xf32, #tpu.memory_space<vmem>> -> memref<1x128x128xf32, #tpu.memory_space<vmem>>
    %dma_wait3A_110 = tpu.memref_squeeze %dma_wait3A_109 : memref<1x128x128xf32, #tpu.memory_space<vmem>> -> memref<128x128xf32, #tpu.memory_space<vmem>>
    %dma_wait3A_111 = arith.constant 0 : i32
    %dma_wait3A_112 = arith.constant 0 : i32
    %dma_wait3A_113 = tpu.memref_slice %arg5[%dma_wait3A_111, %dma_wait3A_112] : memref<819200x128xf32, #tpu.memory_space<hbm>> -> memref<128x128xf32, #tpu.memory_space<hbm>>
    %dma_wait3A_114 = arith.constant 0 : i32
    %dma_wait3A_115 = arith.constant 0 : i32
    %dma_wait3A_116 = tpu.memref_slice %arg5[%dma_wait3A_114, %dma_wait3A_115] : memref<819200x128xf32, #tpu.memory_space<hbm>> -> memref<128x128xf32, #tpu.memory_space<hbm>>
    %dma_wait3A_117 = arith.constant 0 : i32
    %dma_wait3A_118 = arith.constant 0 : i32
    %dma_wait3A_119 = tpu.memref_slice %arg8[%dma_wait3A_106, %dma_wait3A_117, %dma_wait3A_118] : memref<4x128x128xf32, #tpu.memory_space<vmem>> -> memref<1x128x128xf32, #tpu.memory_space<vmem>>
    %dma_wait3A_120 = tpu.memref_squeeze %dma_wait3A_119 : memref<1x128x128xf32, #tpu.memory_space<vmem>> -> memref<128x128xf32, #tpu.memory_space<vmem>>
    tpu.wait_dma2 semaphore(%arg16 : memref<!tpu.dma_semaphore, #tpu.memory_space<semaphore_mem>>) src(%dma_wait3A_120 : memref<128x128xf32, #tpu.memory_space<vmem>>) dst(%dma_wait3A_116 : memref<128x128xf32, #tpu.memory_space<hbm>>)
    %dma_wait3A_121 = arith.constant 3 : i32
    %dma_wait3A_122 = arith.constant 0 : i32
    %dma_wait3A_123 = arith.constant 0 : i32
    %dma_wait3A_124 = tpu.memref_slice %arg8[%dma_wait3A_121, %dma_wait3A_122, %dma_wait3A_123] : memref<4x128x128xf32, #tpu.memory_space<vmem>> -> memref<1x128x128xf32, #tpu.memory_space<vmem>>
    %dma_wait3A_125 = tpu.memref_squeeze %dma_wait3A_124 : memref<1x128x128xf32, #tpu.memory_space<vmem>> -> memref<128x128xf32, #tpu.memory_space<vmem>>
    %dma_wait3A_126 = arith.constant 0 : i32
    %dma_wait3A_127 = arith.constant 0 : i32
    %dma_wait3A_128 = tpu.memref_slice %arg5[%dma_wait3A_126, %dma_wait3A_127] : memref<819200x128xf32, #tpu.memory_space<hbm>> -> memref<128x128xf32, #tpu.memory_space<hbm>>
    %dma_wait3A_129 = arith.constant 0 : i32
    %dma_wait3A_130 = arith.constant 0 : i32
    %dma_wait3A_131 = tpu.memref_slice %arg5[%dma_wait3A_129, %dma_wait3A_130] : memref<819200x128xf32, #tpu.memory_space<hbm>> -> memref<128x128xf32, #tpu.memory_space<hbm>>
    %dma_wait3A_132 = arith.constant 0 : i32
    %dma_wait3A_133 = arith.constant 0 : i32
    %dma_wait3A_134 = tpu.memref_slice %arg8[%dma_wait3A_121, %dma_wait3A_132, %dma_wait3A_133] : memref<4x128x128xf32, #tpu.memory_space<vmem>> -> memref<1x128x128xf32, #tpu.memory_space<vmem>>
    %dma_wait3A_135 = tpu.memref_squeeze %dma_wait3A_134 : memref<1x128x128xf32, #tpu.memory_space<vmem>> -> memref<128x128xf32, #tpu.memory_space<vmem>>
    tpu.wait_dma2 semaphore(%arg17 : memref<!tpu.dma_semaphore, #tpu.memory_space<semaphore_mem>>) src(%dma_wait3A_135 : memref<128x128xf32, #tpu.memory_space<vmem>>) dst(%dma_wait3A_131 : memref<128x128xf32, #tpu.memory_space<hbm>>)
    return
  }
}

</mosaic_0001>

<sc_bundles>
// kernel: _gather_sc.3.cloned.1.call-start
scs
__scs_entry_jumppad:
0x0: {  	(pc) =	sbr.rel $0x88, $3  }
0x1: {  	(tag) =	ssettag $0x0;
	lr =	simm.s32 $0x1  }
0x2: {  	[smem:$0x3F9E] =	sst lr;
	_ =	strace $0xD0000000  }
0x3: {  	_ = 	snop  }
0x4: {  	_ = 	snop  }
0x5: {  	_ = 	snop  }
0x6: {  	_ = 	snop  }
0x7: {  	_ = 	snop  }
__scs_overlays_trampoline_lowered:
0x8: {  	[smem:$0x3FAD] =	sst s0  }
0x9: {  	[smem:$0x3FAE] =	sst s1  }
0xa: {  	[smem:$0x3FAF] =	sst s2  }
0xb: {  	[smem:$0x3FB0] =	sst s3  }
0xc: {  	[smem:$0x3FB1] =	sst s4  }
0xd: {  	[smem:$0x3FB2] =	sst s5  }
0xe: {  	[smem:$0x3FB3] =	sst s6  }
0xf: {  	[smem:$0x3FB4] =	sst s7  }
0x10: {  	[smem:$0x3FB5] =	sst s8  }
0x11: {  	[smem:$0x3FB6] =	sst s9;
	s0 =	simm.s32 @!p0 $0x0  }
0x12: {  	s1 =	sld [smem:$0x3F9C];
	s0 =	simm.s32 @p0 $0x1  }
0x13: {  	[smem:$0x3FB7] =	sst s0;
	s0 =	simm.s32 @!p1 $0x0  }
0x14: {  	s2 =	sld [smem:$0x3F9B];
	s0 =	simm.s32 @p1 $0x1  }
0x15: {  	[smem:$0x3FB8] =	sst s0;
	s0 =	simm.s32 @!p2 $0x0  }
0x16: {  	s3 =	sld [smem:$0x3FDB];
	s0 =	simm.s32 @p2 $0x1  }
0x17: {  	s4 =	simm.s32 $0x1BF5;
	[smem:$0x3FBA] =	sst s0  }
0x18: {  	s0 =	sld [smem:$0x3F9D];
	_ =	swait.ge [sflag:s4], $0x0  }
0x19: {  	s7 =	sld [smem:$0x3F9E]  }
0x1a: {  	s8 =	sadd.s32 $0xFFFFE003, lr  }
0x1b: {  	s9 =	sadd.s32 $0xFFFFFEF7, lr;
	s5 =	simm.s32 $0xFFFFFFFF;
	p2 =	slt.u32 s8, $0xFFFFF086  }
0x1c: {  	p1 =	slt.u32 s9, $0xF7A;
	s5 =	simm.s32 @!p2 $0x0  }
0x1d: {  	s5 =	simm.s32 @p1 $0x1;
	p0 =	seq.s32 s7, s2  }
0x1e: {  	s7 =	smul.u32 @!p0 $0xF7A, s2;
	p2 =	seq.s32 @!p0 s5, $0x0  }
0x1f: {  	s9 =	smul.u32 $0xF7A, s1;
	s8 =	simm.s32 @!p0 $0x1BF5;
	p2 =	por !p2, p0  }
0x20: {  	[sflag:s8] =	ssyncset.s32 @!p0 $0xFFFFF086;
	s6 =	sadd.s32 @!p0 s3, s7;
	s7 =	simm.s32 @!p0 $0x108  }
0x21: {  	s3 =	sadd.s32 s3, s9;
	s6 =	sadd.s32 @!p0 $0x88, s6;
	s7 =	simm.s32 @p2 $0x1082  }
0x22: {  	[simem:s7], [sflag:s8] =	dma.local @!p0 [hbm:s6], $0xF7A  }
0x23: {  	s9 =	sor.u32 $0xD0000000, s2;
	s6 =	simm.s32 $0x108;
	_ =	swait.ge @!p0 [sflag:s8], $0x0  }
0x24: {  	s3 =	sadd.s32 $0x88, s3;
	s6 =	simm.s32 @!p1 $0x1082;
	[sflag:s4] =	ssyncset.s32 $0xFFFFF086  }
0x25: {  	[simem:s6], [sflag:s4] =	dma.local [hbm:s3], $0xF7A  }
0x26: {  	[smem:$0x3F9E] =	sst s1;
	(tag) =	ssettag s2;
	_ =	strace s9  }
0x27: {  	s1 =	sld [smem:$0x3FAE]  }
0x28: {  	s2 =	sld [smem:$0x3FAF]  }
0x29: {  	s4 =	sld [smem:$0x3FB1]  }
0x2a: {  	p0 =	seq.s32 s5, $0x0;
	s5 =	sld [smem:$0x3FB2]  }
0x2b: {  	s6 =	sld [smem:$0x3FB3]  }
0x2c: {  	s7 =	sld [smem:$0x3FB4]  }
0x2d: {  	s3 =	simm.s32 $0x108;
	s8 =	sld [smem:$0x3FB5]  }
0x2e: {  	s3 =	simm.s32 @!p0 $0x1082;
	s9 =	sld [smem:$0x3FB6]  }
0x2f: {  	lr =	sadd.s32 s0, s3;
	s0 =	sld [smem:$0x3FAD]  }
0x30: {  	s3 =	sld [smem:$0x3FB0]  }
0x31: {  	[smem:$0x3FB9] =	sst s10  }
0x32: {  	s10 =	sld [smem:$0x3FB7];
	_ =	sdelay $0x3  }
0x33: {  	p0 =	seq.s32 s10, $0x1;
	s10 =	sld [smem:$0x3FB9];
	_ =	sdelay $0x3  }
0x34: {  	[smem:$0x3FB9] =	sst s10  }
0x35: {  	s10 =	sld [smem:$0x3FB8];
	_ =	sdelay $0x3  }
0x36: {  	p1 =	seq.s32 s10, $0x1;
	s10 =	sld [smem:$0x3FB9];
	_ =	sdelay $0x3  }
0x37: {  	[smem:$0x3FB9] =	sst s10  }
0x38: {  	s10 =	sld [smem:$0x3FBA]  }
0x39: {  	_ = 	snop;
	(pc) =	sbr.ind lr, $3  }
0x3a: {  	_ = 	snop  }
0x3b: {  	_ = 	snop  }
0x3c: {  	p2 =	seq.s32 s10, $0x1;
	s10 =	sld [smem:$0x3FB9]  }
0x3d: {  	_ =	shalt  }
0x3e: {  	_ =	shalt  }
0x3f: {  	_ =	shalt  }
0x40: {  	_ =	shalt  }
0x41: {  	_ =	shalt  }
0x42: {  	_ =	shalt  }
0x43: {  	_ =	shalt  }
0x44: {  	_ =	shalt  }
0x45: {  	_ =	shalt  }
0x46: {  	_ =	shalt  }
0x47: {  	_ =	shalt  }
0x48: {  	_ =	shalt  }
0x49: {  	_ =	shalt  }
0x4a: {  	_ =	shalt  }
0x4b: {  	_ =	shalt  }
0x4c: {  	_ =	shalt  }
0x4d: {  	_ =	shalt  }
0x4e: {  	_ =	shalt  }
0x4f: {  	_ =	shalt  }
0x50: {  	_ =	shalt  }
0x51: {  	_ =	shalt  }
0x52: {  	_ =	shalt  }
0x53: {  	_ =	shalt  }
0x54: {  	_ =	shalt  }
0x55: {  	_ =	shalt  }
0x56: {  	_ =	shalt  }
0x57: {  	_ =	shalt  }
0x58: {  	_ =	shalt  }
0x59: {  	_ =	shalt  }
0x5a: {  	_ =	shalt  }
0x5b: {  	_ =	shalt  }
0x5c: {  	_ =	shalt  }
0x5d: {  	_ =	shalt  }
0x5e: {  	_ =	shalt  }
0x5f: {  	_ =	shalt  }
0x60: {  	_ =	shalt  }
0x61: {  	_ =	shalt  }
0x62: {  	_ =	shalt  }
0x63: {  	_ =	shalt  }
0x64: {  	_ =	shalt  }
0x65: {  	_ =	shalt  }
0x66: {  	_ =	shalt  }
0x67: {  	_ =	shalt  }
0x68: {  	_ =	shalt  }
0x69: {  	_ =	shalt  }
0x6a: {  	_ =	shalt  }
0x6b: {  	_ =	shalt  }
0x6c: {  	_ =	shalt  }
0x6d: {  	_ =	shalt  }
0x6e: {  	_ =	shalt  }
0x6f: {  	_ =	shalt  }
0x70: {  	_ =	shalt  }
0x71: {  	_ =	shalt  }
0x72: {  	_ =	shalt  }
0x73: {  	_ =	shalt  }
0x74: {  	_ =	shalt  }
0x75: {  	_ =	shalt  }
0x76: {  	_ =	shalt  }
0x77: {  	_ =	shalt  }
0x78: {  	_ =	shalt  }
0x79: {  	_ =	shalt  }
0x7a: {  	_ =	shalt  }
0x7b: {  	_ =	shalt  }
0x7c: {  	_ =	shalt  }
0x7d: {  	_ =	shalt  }
0x7e: {  	_ =	shalt  }
0x7f: {  	_ =	shalt  }
0x80: {  	_ =	shalt  }
0x81: {  	_ =	shalt  }
0x82: {  	_ =	shalt  }
0x83: {  	_ =	shalt  }
0x84: {  	_ =	shalt  }
0x85: {  	_ =	shalt  }
0x86: {  	_ =	shalt  }
0x87: {  	_ =	shalt  }
.Lfunc_end0:
.L_simem_size_0:
called_computation_lowered:
.L_overlay_start_0:
0x88: {  	s2 =	sld [smem:$0x3FD9]  }
0x89: {  	s3 =	sld [smem:$0x3FFE];
	_ =	sdelay $0x1  }
0x8a: {  	s1 =	srdreg.scid  }
0x8b: {  	s0 =	sand.u32 $0x1, s1  }
0x8c: {  	s15 =	sshll.u32 s0, $0xA;
	s2 =	sadd.s32 s3, s2  }
0x8d: {  	s2 =	sadd.s32 s2, s15  }
0x8e: {  	[smem:$0x3FC5] =	sst s2  }
0x8f: {  	_ = 	snop  }
0x90: {  	s2 =	sld [smem:$0x3FD0]  }
0x91: {  	s16 =	sld [smem:$0x3FC9]  }
0x92: {  	s4 =	sld [smem:$0x3FC8]  }
0x93: {  	s6 =	simm.s32 $0xA;
	s7 =	simm.s32 $0x10;
	s5 =	sld [smem:$0x3FC7]  }
0x94: {  	[smem:s7], [sflag:s6] =	dma.local [hbm:s2], $0x1  }
0x95: {  	_ =	swait.eq [sflag:s6], $0x1  }
0x96: {  	[sflag:s6] =	ssyncset.done $0x0  }
0x97: {  	s17 =	sld [smem:$0x10];
	[sflag:s6] =	ssyncadd.s32 $0xFFFFFFFF  }
0x98: {  	s18 =	sld [smem:$0x11];
	(tm) =	ssettm $0x1  }
0x99: {  	s19 =	sld [smem:$0x3FFB];
	_ =	sdelay $0x3  }
0x9a: {  	_ =	strace s19  }
0x9b: {  	s7 =	sld [smem:$0x3FFC];
	_ =	sdelay $0x3  }
0x9c: {  	_ =	strace s7  }
0x9d: {  	s7 =	sld [smem:$0x3FFD];
	_ =	sdelay $0x3  }
0x9e: {  	_ =	strace s7  }
0x9f: {  	_ =	strace $0x8FFFFFFF  }
0xa0: {  	s20 =	sld [smem:$0x3FDB];
	_ =	sdelay $0x1  }
0xa1: {  	s8 =	simm.s32 $_scs_section_size  }
0xa2: {  	s9 =	simm.s32 $_size__tile_overlayer_lowered;
	s10 =	simm.s32 $_tile_overlayer_lowered  }
0xa3: {  	s23 =	simm.s32 $0x1BFF;
	s22 =	sshll.u32 s10, $0x1;
	s7 =	sadd.s32 s8, s20  }
0xa4: {  	s11 =	simm.s32 $0x0;
	s21 =	sshll.u32 s9, $0x1;
	s9 =	sadd.s32 s22, s7  }
0xa5: {  	[timem:s11], [sflag:s23] =	dma.local [hbm:s9], s21  }
0xa6: {  	_ =	swait.ge [sflag:s23], s21  }
0xa7: {  	s8 =	ssub.s32 $0x0, s21;
	[sflag:s23] =	ssyncset.done $0x0  }
0xa8: {  	[sflag:s23] =	ssyncadd.s32 s8;
	_ =	sdelay $0x1  }
0xa9: {  	s24 =	simm.s32 $0x1B8B  }
0xaa: {  	_ =	swait.ge [sflag:s24], $0x1  }
0xab: {  	[sflag:s24] =	ssyncset.done $0x0  }
0xac: {  	s25 =	simm.s32 $0x1B8E;
	[sflag:s24] =	ssyncadd.s32 $0xFFFFFFFF  }
0xad: {  	s26 =	simm.s32 $execute0_lowered;
	[smem:$0x3FD2] =	sst s25  }
0xae: {  	s8 =	sshll.u32 s26, $0x1;
	_ =	strace $0x80000046;
	[dreg:$0x1] =	wrdreg $0xFFFFFFFF  }
0xaf: {  	s28 =	simm.s32 $_size_execute0_lowered;
	s7 =	sadd.s32 s7, s8;
	[dreg:$0x0] =	wrdreg $0x0  }
0xb0: {  	s8 =	sshll.u32 s28, $0x1;
	[dreg:$0x2] =	wrdreg s7  }
0xb1: {  	[dreg:$0x3] =	wrdreg s8  }
0xb2: {  	[dreg:$0x4] =	wrdreg $0xC0  }
0xb3: {  	_ =	task [dreg:s11], $0x5FFFF  }
0xb4: {  	[dreg:$0x1] =	wrdreg $0xFFFFFFFF  }
0xb5: {  	[dreg:$0x0] =	wrdreg $0x60  }
0xb6: {  	[dreg:$0x2] =	wrdreg s16  }
0xb7: {  	[dreg:$0x3] =	wrdreg s4  }
0xb8: {  	[dreg:$0x4] =	wrdreg s5  }
0xb9: {  	[dreg:$0x5] =	wrdreg s17  }
0xba: {  	[dreg:$0x6] =	wrdreg s18  }
0xbb: {  	[dreg:$0x7] =	wrdreg $0x1C8000  }
0xbc: {  	[dreg:$0x8] =	wrdreg $0x9  }
0xbd: {  	_ =	task.clear_ibuf [dreg:s11], $0x9FFFF;
	_ =	strace $0x90000046  }
0xbe: {  	s29 =	simm.s32 $0x9;
	_ =	strace $0x80000048  }
0xbf: {  	_ =	swait.ge [sflag:s29], $0x1  }
0xc0: {  	[sflag:s29] =	ssyncadd.s32 $0xFFFFFFFF  }
0xc1: {  	_ =	strace $0x90000048  }
0xc2: {  	_ =	sfence  }
0xc3: {  	s30 =	sld [smem:$0x0];
	_ =	sdelay $0x2  }
0xc4: {  	s31 =	sshll.u32 s1, $0xD;
	s1 =	sshrl.u32 s1, $0x2  }
0xc5: {  	s3 =	sand.u32 $0x4000, s31;
	s1 =	sadd.s32 s1, s30  }
0xc6: {  	s0 =	sor.u32 s3, s0;
	s1 =	sshll.u32 s1, $0x11  }
0xc7: {  	s0 =	sor.u32 s1, s0  }
0xc8: {  	s0 =	sadd.s32 $0x8F2B, s0  }
0xc9: {  	[sflag:s0] =	ssyncadd.remote.s32 $0x1  }
0xca: {  	_ =	sfence.sel $0xFFFF  }
0xcb: {  	[dreg:$0x0] =	wrdreg $0xFFFFFFFF;
	(pc) =	sbr.abs _section_cstart, $3  }
0xcc: {  	[dreg:$0x1] =	wrdreg $0xFFFFFFFF  }
0xcd: {  	_ =	task.clear_ibuf [dreg:s11], $0x2FFFF;
	_ =	strace $0x9FFFFFFF  }
0xce: {  	(tm) =	ssettm $0x7FFFFFFF  }
0xcf: {  	_ =	shalt  }
tec
execute0_lowered:
.L_overlay_start_1:
0x0: {  	(tag) =	ssettag $0x1  }
0x1: {  	s2 =	rddreg [dreg:$0x1]  }
0x2: {  	s6 =	rddreg [dreg:$0x2]  }
0x3: {  	s9 =	rddreg [dreg:$0x3]  }
0x4: {  	s8 =	rddreg [dreg:$0x4]  }
0x5: {  	s3 =	rddreg [dreg:$0x5];
	s4 =	simm.s32 $0x0;
	s5 =	srdreg.scid  }
0x6: {  	s0 =	stileid.u32;
	s13 =	simm.s32 $0x9;
	s14 =	simm.s32 $0xC800  }
0x7: {  	s15 =	simm.s32 $0x10800;
	s16 =	simm.s32 $0x14800;
	s17 =	simm.s32 $0x18800  }
0x8: {  	s19 =	simm.s32 $0x2;
	s20 =	simm.s32 $0x3;
	s21 =	simm.s32 $0x4  }
0x9: {  	s22 =	simm.s32 $0x5;
	s23 =	simm.s32 $0x6;
	s24 =	simm.s32 $0x7  }
0xa: {  	s25 =	simm.s32 $0x8;
	s26 =	simm.s32 $0x0;
	[smem:$0x7FF] =	sst s4  }
0xb: {  	s18 =	sand.u32 $0x1, s5;
	p1 =	seq.s32 s0, $0x0;
	s31 =	smul.u32 $0x1900, s0  }
0xc: {  	s12 =	smul.u32 $0xC8000, s0;
	_ =	strace $0x80000047;
	s7 =	ssub.s32 $0x2, s18  }
0xd: {  	p0 =	seq.s32 s18, $0x1;
	s11 =	sor.u32 s18, s0;
	p3 =	sne.s32 s18, $0x0  }
.Ltmp0:
0xe: {  	s18 =	simm.s32 $0x1;
	s10 =	sshrl.u32 s7, $0x1;
	(pc) =	sbr.rel .LBB2_1-.Ltmp0, $4  }
0xf: {  	p1 =	por !p1, !p0;
	s6 =	sadd.s32 s6, s31;
	p2 =	sne.s32 s11, $0x0  }
0x10: {  	s8 =	sadd.s32 s12, s8;
	s9 =	sadd.s32 s12, s9;
	s7 =	ssub.s32 s7, s10  }
0x11: {  	p1 =	por !p1, !p1;
	s10 =	sshll.u32 @!p2 s0, $0x6;
	s11 =	sshrl.u32 @!p2 s3, $0x3  }
0x12: {  	s7 =	smax.u32 s7, $0x1;
	s10 =	sor.u32 @!p2 $0x1C09, s10;
	s12 =	sshrl.u32 @p1 s3, $0x3  }
.LBB2_4:
0x13: {  	_ =	swait.ge [sflag:s23], $0x4000  }
0x14: {  	[sflag:s23] =	ssyncset.done $0x0  }
0x15: {  	s26 =	sadd.s32 $0x1, s26;
	[sflag:s23] =	ssyncadd.s32 $0xFFFFC000  }
0x16: {  	p4 =	sne.s32 s26, s7;
	_ =	swait.ge [sflag:s24], $0x4000  }
.Ltmp1:
0x17: {  	[sflag:s24] =	ssyncset.done $0x0;
	(pc) =	sbr.rel @!p4 .LBB2_5-.Ltmp1, $4  }
0x18: {  	[sflag:s24] =	ssyncadd.s32 $0xFFFFC000  }
0x19: {  	_ =	swait.ge [sflag:s25], $0x4000  }
0x1a: {  	[sflag:s25] =	ssyncset.done $0x0  }
0x1b: {  	[sflag:s25] =	ssyncadd.s32 $0xFFFFC000  }
.LBB2_1:
0x1c: {  	s0 =	rddreg [dreg:$0x0];
	s28 =	simm.s32 @!p2 $0x9  }
0x1d: {  	[spmem:s11], [sflag:s10] =	dma.local @!p2 [hbm:s0], $0x3E80  }
0x1e: {  	_ =	swait.ge @!p2 [sflag:s28], $0x3E80  }
0x1f: {  	[sflag:s28] =	ssyncset.done @!p2 $0x0  }
0x20: {  	[sflag:s28] =	ssyncadd.s32 @!p2 $0xFFFFC180;
	s28 =	simm.s32 @p1 $0x1C09  }
0x21: {  	[spmem:s12], [sflag:s28] =	dma.local @p1 [hbm:s2], $0x3E80  }
0x22: {  	s28 =	simm.s32 @p1 $0x9  }
0x23: {  	_ =	swait.ge @p1 [sflag:s28], $0x3E80  }
0x24: {  	[sflag:s28] =	ssyncset.done @p1 $0x0  }
0x25: {  	[sflag:s28] =	ssyncadd.s32 @p1 $0xFFFFC180  }
0x26: {  	[tilespmem:s4], [sflag:$0x9] =	stream.linear.gather [hbm4b:s6+s4], $0xC800, $0x38;
	[tilespmem:$0x1E740] =	vst v63  }
0x27: {  	_ =	swait.ge [sflag:s13], $0xC800  }
0x28: {  	[sflag:s13] =	ssyncset.done $0x0  }
0x29: {  	[sflag:s13] =	ssyncadd.s32 $0xFFFF3800  }
0x2a: {  	[bflag:$0x0] =	sbarrier.arrive $0xFFFF  }
0x2b: {  	[tilespmem:s14], [sflag:$0x1] =	stream.linear.gather [spmem:s3], $0x400, $0x38;
	[tilespmem:$0x1E740] =	vst v63  }
0x2c: {  	_ = 	snop  }
0x2d: {  	[tilespmem:s15], [sflag:$0x2] =	stream.linear.gather [spmem:s3], $0x400, $0x38;
	[tilespmem:$0x1E740] =	vst v63  }
0x2e: {  	_ = 	snop  }
0x2f: {  	[tilespmem:s16], [sflag:$0x3] =	stream.linear.gather [spmem:s3], $0x400, $0x38;
	[tilespmem:$0x1E740] =	vst v63  }
0x30: {  	s28 =	simm.s32 $0x0  }
0x31: {  	[tilespmem:s17], [sflag:$0x4] =	stream.linear.gather [spmem:s3], $0x400, $0x38;
	[tilespmem:$0x1E740] =	vst v63  }
.LBB2_2:
0x32: {  	_ =	swait.ge [sflag:s18], $0x400  }
0x33: {  	s29 =	sadd.s32 @!p3 s28, s9;
	[sflag:s18] =	ssyncset.done $0x0  }
0x34: {  	s30 =	simm.s32 @!p3 $0x0;
	s31 =	simm.s32 @!p3 $0xC800;
	[sflag:s18] =	ssyncadd.s32 $0xFFFFFC00  }
0x35: {  	[hbm4b:s29+s30] =	stream.linear.scatter @!p3 [tilespmem:s31], [sflag:$0x5], $0x4000, $0x38;
	[tilespmem:$0x1E740] =	vst v63  }
0x36: {  	s0 =	simm.s32 @p0 $0x0;
	s5 =	simm.s32 @p0 $0xC800;
	s31 =	sadd.s32 @p0 s28, s8  }
0x37: {  	[hbm4b:s31+s0] =	stream.linear.scatter @p0 [tilespmem:s5], [sflag:$0x5], $0x4000, $0x38;
	[tilespmem:$0x1E740] =	vst v63  }
0x38: {  	_ =	swait.ge [sflag:s19], $0x400  }
0x39: {  	[sflag:s19] =	ssyncset.done $0x0  }
0x3a: {  	s1 =	simm.s32 @!p3 $0x10800;
	s5 =	sadd.s32 @!p3 $0x800, s29;
	[sflag:s19] =	ssyncadd.s32 $0xFFFFFC00  }
0x3b: {  	[hbm4b:s5+s30] =	stream.linear.scatter @!p3 [tilespmem:s1], [sflag:$0x6], $0x4000, $0x38;
	[tilespmem:$0x1E740] =	vst v63  }
0x3c: {  	s1 =	sadd.s32 @p0 $0x800, s31;
	s5 =	simm.s32 @p0 $0x10800  }
0x3d: {  	[hbm4b:s1+s0] =	stream.linear.scatter @p0 [tilespmem:s5], [sflag:$0x6], $0x4000, $0x38;
	[tilespmem:$0x1E740] =	vst v63  }
0x3e: {  	_ =	swait.ge [sflag:s20], $0x400  }
0x3f: {  	[sflag:s20] =	ssyncset.done $0x0  }
0x40: {  	s1 =	sadd.s32 @!p3 $0x1000, s29;
	s5 =	simm.s32 @!p3 $0x14800;
	[sflag:s20] =	ssyncadd.s32 $0xFFFFFC00  }
0x41: {  	[hbm4b:s1+s30] =	stream.linear.scatter @!p3 [tilespmem:s5], [sflag:$0x7], $0x4000, $0x38;
	[tilespmem:$0x1E740] =	vst v63  }
0x42: {  	s1 =	sadd.s32 @p0 $0x1000, s31;
	s5 =	simm.s32 @p0 $0x14800  }
0x43: {  	[hbm4b:s1+s0] =	stream.linear.scatter @p0 [tilespmem:s5], [sflag:$0x7], $0x4000, $0x38;
	[tilespmem:$0x1E740] =	vst v63  }
0x44: {  	_ =	swait.ge [sflag:s21], $0x400  }
0x45: {  	p4 =	seq.s32 s28, $0xC6000;
	[sflag:s21] =	ssyncset.done $0x0  }
0x46: {  	s1 =	sadd.s32 @!p3 $0x1800, s29;
	s5 =	simm.s32 @!p3 $0x18800;
	[sflag:s21] =	ssyncadd.s32 $0xFFFFFC00  }
0x47: {  	[hbm4b:s1+s30] =	stream.linear.scatter @!p3 [tilespmem:s5], [sflag:$0x8], $0x4000, $0x38;
	[tilespmem:$0x1E740] =	vst v63  }
.Ltmp2:
0x48: {  	s1 =	sadd.s32 @p0 $0x1800, s31;
	s5 =	simm.s32 @p0 $0x18800;
	(pc) =	sbr.rel @p4 .LBB2_4-.Ltmp2, $4  }
0x49: {  	[hbm4b:s1+s0] =	stream.linear.scatter @p0 [tilespmem:s5], [sflag:$0x8], $0x4000, $0x38;
	[tilespmem:$0x1E740] =	vst v63  }
0x4a: {  	_ =	swait.ge [sflag:s22], $0x4000  }
0x4b: {  	[sflag:s22] =	ssyncset.done $0x0  }
0x4c: {  	[sflag:s22] =	ssyncadd.s32 $0xFFFFC000  }
0x4d: {  	[tilespmem:s14], [sflag:$0x1] =	stream.linear.gather [spmem:s3], $0x400, $0x38;
	[tilespmem:$0x1E740] =	vst v63  }
0x4e: {  	_ =	swait.ge [sflag:s23], $0x4000  }
0x4f: {  	[sflag:s23] =	ssyncset.done $0x0  }
0x50: {  	[sflag:s23] =	ssyncadd.s32 $0xFFFFC000  }
0x51: {  	[tilespmem:s15], [sflag:$0x2] =	stream.linear.gather [spmem:s3], $0x400, $0x38;
	[tilespmem:$0x1E740] =	vst v63  }
0x52: {  	_ =	swait.ge [sflag:s24], $0x4000  }
0x53: {  	[sflag:s24] =	ssyncset.done $0x0  }
0x54: {  	[sflag:s24] =	ssyncadd.s32 $0xFFFFC000  }
0x55: {  	[tilespmem:s16], [sflag:$0x3] =	stream.linear.gather [spmem:s3], $0x400, $0x38;
	[tilespmem:$0x1E740] =	vst v63  }
.Ltmp3:
0x56: {  	_ = 	snop;
	(pc) =	sbr.rel .LBB2_2-.Ltmp3, $4  }
0x57: {  	_ =	swait.ge [sflag:s25], $0x4000  }
0x58: {  	[sflag:s25] =	ssyncset.done $0x0  }
0x59: {  	s28 =	sadd.s32 $0x2000, s28;
	[sflag:s25] =	ssyncadd.s32 $0xFFFFC000  }
0x5a: {  	[tilespmem:s17], [sflag:$0x4] =	stream.linear.gather [spmem:s3], $0x400, $0x38;
	[tilespmem:$0x1E740] =	vst v63  }
.LBB2_5:
0x5b: {  	_ =	sfence.sel $0x180000  }
0x5c: {  	[bflag:$0x0] =	sbarrier.arrive $0xFFFF  }
0x5d: {  	_ =	strace $0x90000047  }
0x5e: {  	s0 =	stileid.u32;
	[bflag:$0x2] =	sbarrier.arrive $0xFFFF  }
0x5f: {  	p0 =	sne.s32 s0, $0x0;
	s0 =	rddreg [dreg:$0x6]  }
0x60: {  	s0 =	sadd.s32 @!p0 $0x100000, s0  }
0x61: {  	[sflag:s0] =	ssyncadd.tile.s32 @!p0 $0x1;
	_ =	shalt  }
.Lfunc_end2:
_tile_overlayer_lowered:
.L_overlay_start_2:
0x62: {  	(tag) =	ssettag $0x2  }
0x63: {  	s0 =	rddreg [dreg:$0x0];
	s2 =	stileid.u32  }
0x64: {  	s1 =	rddreg [dreg:$0x1];
	p0 =	sne.s32 s2, $0x0  }
0x65: {  	s3 =	rddreg [dreg:$0x2];
	[bflag:$0x3] =	sbarrier.arrive $0xFFFF;
	s2 =	simm.s32 @!p0 $0x1C09  }
0x66: {  	[timem:s3], [sflag:s2] =	dma.local @!p0 [hbm:s0], s1  }
0x67: {  	s0 =	simm.s32 @!p0 $0x9  }
0x68: {  	_ =	swait.ge @!p0 [sflag:s0], s1  }
0x69: {  	s1 =	ssub.s32 @!p0 $0x0, s1;
	[sflag:s0] =	ssyncset.done @!p0 $0x0  }
0x6a: {  	[sflag:s0] =	ssyncadd.s32 @!p0 s1  }
0x6b: {  	[bflag:$0x3] =	sbarrier.arrive $0xFFFF  }
0x6c: {  	_ =	shalt  }

</sc_bundles>
